<compile_context>
chip_gen: v7x
topology: tpu7x:2x2x1
jax: 0.10.2.dev20260603
libtpu: 0.0.44.dev20260713+nightly
codegen_flags: <defaults>
</compile_context>

<pallas_src>
import jax
import jax.numpy as jnp
from jax import lax
from jax.experimental import pallas as pl
from jax.experimental.pallas import tpu as pltpu
from jax.experimental.pallas import tpu_sc as plsc

N = 10000
E = 320000
F = 128
H = 8
D = 16
ALPHA = 0.2

NC = 2
NS = 16
NP = 10240
RPT = NP // NS
EPW = E // (NC * NS)
B = 80
NCHUNK = EPW // B


def _tc_pre(x_ref, wct_ref, wb_ref, aall_ref, ab_ref,
            wh_ref, tall_ref, bmax_ref):
    i = pl.program_id(0)
    wh = jnp.dot(x_ref[...], wct_ref[...], preferred_element_type=jnp.float32)
    wh = wh + wb_ref[...]
    wh_ref[...] = wh
    tall = jnp.dot(wh, aall_ref[...], preferred_element_type=jnp.float32)
    tall = tall + ab_ref[...]
    tall_ref[...] = tall
    m = jnp.max(tall, axis=0, keepdims=True)

    @pl.when(i == 0)
    def _():
        bmax_ref[...] = m

    @pl.when(i != 0)
    def _():
        bmax_ref[...] = jnp.maximum(bmax_ref[...], m)


def _tc_post(a0_ref, a1_ref, d0_ref, d1_ref, emat_ref, out_ref):
    dsum = d0_ref[...] + d1_ref[...]
    dx = jnp.dot(dsum, emat_ref[...], preferred_element_type=jnp.float32)
    acc = a0_ref[...] + a1_ref[...]
    out_ref[...] = acc / jnp.maximum(dx, 1e-30)


def _sc_edge(src_hbm, dst_hbm, wh_hbm, tall_hbm, bnd_hbm,
             acc_out, ex_out,
             srcv, dstv, gv, rowsv, exbv, bndv, dsem,
             acc_sh):
    cid = lax.axis_index("c")
    sid = lax.axis_index("s")
    wid = cid * NS + sid
    sync_copy = pltpu.sync_copy
    z16 = jnp.zeros((16,), jnp.float32)
    iota16 = lax.iota(jnp.int32, 16)
    r0 = sid * RPT

    @pl.loop(0, B)
    def _(i):
        for h in range(F // 16):
            rowsv[i, pl.ds(h * 16, 16)] = z16

    sync_copy(bnd_hbm, bndv)

    @pl.loop(0, RPT // B)
    def _(k):
        base_r = r0 + k * B

        @pl.loop(0, B // 16)
        def _(j):
            srcv[pl.ds(j * 16, 16)] = iota16 + (base_r + j * 16)

        sync_copy(rowsv, acc_sh.at[srcv])

    plsc.subcore_barrier()

    @pl.loop(0, NCHUNK)
    def _(c):
        base = wid * EPW + c * B
        sync_copy(src_hbm.at[pl.ds(base, B)], srcv)
        sync_copy(dst_hbm.at[pl.ds(base, B)], dstv)
        sync_copy(tall_hbm.at[srcv], gv)
        wh_cp = pltpu.async_copy(wh_hbm.at[srcv], rowsv, dsem)

        @pl.loop(0, B)
        def _(i):
            exbv[i, :] = gv[i, pl.ds(0, 16)]

        sync_copy(tall_hbm.at[dstv], gv)
        bnd = bndv[...]

        @pl.loop(0, B)
        def _(i):
            z = exbv[i, :] + gv[i, pl.ds(16, 16)]
            z = jnp.maximum(z, ALPHA * z)
            exbv[i, :] = jnp.exp(z - bnd)

        wh_cp.wait()

        @pl.loop(0, B)
        def _(i):
            ex = exbv[i, :]
            for h in range(H):
                s = ex[h]
                sl = pl.ds(h * 16, 16)
                rowsv[i, sl] = rowsv[i, sl] * s

        sync_copy(exbv, ex_out.at[pl.ds(base, B)])
        sync_copy(rowsv, acc_sh.at[dstv], add=True)

    plsc.subcore_barrier()

    @pl.loop(0, RPT // B)
    def _(k):
        base_r = r0 + k * B

        @pl.loop(0, B // 16)
        def _(j):
            srcv[pl.ds(j * 16, 16)] = iota16 + (base_r + j * 16)

        sync_copy(acc_sh.at[srcv], rowsv)
        sync_copy(rowsv, acc_out.at[cid, pl.ds(base_r, B)])


def _sc_den(dst_hbm, ex_hbm, den_out, dstv, exv, payv, den_sh):
    cid = lax.axis_index("c")
    sid = lax.axis_index("s")
    wid = cid * NS + sid
    sync_copy = pltpu.sync_copy
    z16 = jnp.zeros((16,), jnp.float32)
    iota16 = lax.iota(jnp.int32, 16)
    r0 = sid * RPT

    @pl.loop(0, B)
    def _(i):
        for h in range(F // 16):
            payv[i, pl.ds(h * 16, 16)] = z16

    @pl.loop(0, RPT // B)
    def _(k):
        base_r = r0 + k * B

        @pl.loop(0, B // 16)
        def _(j):
            dstv[pl.ds(j * 16, 16)] = iota16 + (base_r + j * 16)

        sync_copy(payv, den_sh.at[dstv])

    plsc.subcore_barrier()

    @pl.loop(0, NCHUNK)
    def _(c):
        base = wid * EPW + c * B
        sync_copy(dst_hbm.at[pl.ds(base, B)], dstv)
        sync_copy(ex_hbm.at[pl.ds(base, B)], exv)

        @pl.loop(0, B)
        def _(i):
            payv[i, pl.ds(0, 16)] = exv[i, :]

        sync_copy(payv, den_sh.at[dstv], add=True)

    plsc.subcore_barrier()

    @pl.loop(0, RPT // B)
    def _(k):
        base_r = r0 + k * B

        @pl.loop(0, B // 16)
        def _(j):
            dstv[pl.ds(j * 16, 16)] = iota16 + (base_r + j * 16)

        sync_copy(den_sh.at[dstv], payv)
        sync_copy(payv, den_out.at[cid, pl.ds(base_r, B)])


def kernel(x, edge_index, W, Wb, a, ab):
    src = edge_index[0]
    dst = edge_index[1]

    wct = jnp.transpose(W, (2, 0, 1)).reshape(F, H * D)
    wb2 = Wb.reshape(1, H * D)
    a_src = a[:, :D]
    a_dst = a[:, D:]
    eye8 = jnp.eye(H, dtype=jnp.float32)
    c1 = (a_src[:, :, None] * eye8[:, None, :]).reshape(H * D, H)
    c2 = (a_dst[:, :, None] * eye8[:, None, :]).reshape(H * D, H)
    aall = jnp.concatenate(
        [c1, c1, c2, c2, jnp.zeros((H * D, 128 - 4 * H), jnp.float32)],
        axis=1)
    ab16 = jnp.concatenate([ab, ab])
    ab128 = jnp.concatenate(
        [jnp.zeros((16,), jnp.float32), ab16,
         jnp.zeros((96,), jnp.float32)]).reshape(1, 128)

    blk = 1000
    grid = (N // blk,)
    wh, tall, bmax = pl.pallas_call(
        _tc_pre,
        grid=grid,
        in_specs=[
            pl.BlockSpec((blk, F), lambda i: (i, 0)),
            pl.BlockSpec((F, H * D), lambda i: (0, 0)),
            pl.BlockSpec((1, H * D), lambda i: (0, 0)),
            pl.BlockSpec((H * D, 128), lambda i: (0, 0)),
            pl.BlockSpec((1, 128), lambda i: (0, 0)),
        ],
        out_specs=[
            pl.BlockSpec((blk, H * D), lambda i: (i, 0)),
            pl.BlockSpec((blk, 128), lambda i: (i, 0)),
            pl.BlockSpec((1, 128), lambda i: (0, 0)),
        ],
        out_shape=[
            jax.ShapeDtypeStruct((N, H * D), jnp.float32),
            jax.ShapeDtypeStruct((N, 128), jnp.float32),
            jax.ShapeDtypeStruct((1, 128), jnp.float32),
        ],
    )(x, wct, wb2, aall, ab128)

    braw = bmax[0, :D] + bmax[0, D:2 * D]
    bnd16 = jnp.maximum(braw, ALPHA * braw)

    mesh = plsc.VectorSubcoreMesh(core_axis_name="c", subcore_axis_name="s")
    sc_a = pl.kernel(
        _sc_edge,
        out_type=[
            jax.ShapeDtypeStruct((NC, NP, F), jnp.float32),
            jax.ShapeDtypeStruct((E, D), jnp.float32),
        ],
        mesh=mesh,
        scratch_types=[
            pltpu.VMEM((B,), jnp.int32),
            pltpu.VMEM((B,), jnp.int32),
            pltpu.VMEM((B, 128), jnp.float32),
            pltpu.VMEM((B, F), jnp.float32),
            pltpu.VMEM((B, 16), jnp.float32),
            pltpu.VMEM((16,), jnp.float32),
            pltpu.SemaphoreType.DMA,
            pltpu.VMEM_SHARED((NP, F), jnp.float32),
        ],
    )
    acc_p, exr = sc_a(src, dst, wh, tall, bnd16)

    sc_b = pl.kernel(
        _sc_den,
        out_type=jax.ShapeDtypeStruct((NC, NP, F), jnp.float32),
        mesh=mesh,
        scratch_types=[
            pltpu.VMEM((B,), jnp.int32),
            pltpu.VMEM((B, 16), jnp.float32),
            pltpu.VMEM((B, F), jnp.float32),
            pltpu.VMEM_SHARED((NP, F), jnp.float32),
        ],
    )
    den_p = sc_b(dst, exr)

    emat = (jnp.eye(H, dtype=jnp.float32)[:, :, None]
            * jnp.ones((1, 1, D), jnp.float32)).reshape(H, H * D)
    emat = jnp.concatenate([emat, jnp.zeros((H, H * D), jnp.float32)], axis=0)

    out = pl.pallas_call(
        _tc_post,
        grid=grid,
        in_specs=[
            pl.BlockSpec((blk, F), lambda i: (i, 0)),
            pl.BlockSpec((blk, F), lambda i: (i, 0)),
            pl.BlockSpec((blk, D), lambda i: (i, 0)),
            pl.BlockSpec((blk, D), lambda i: (i, 0)),
            pl.BlockSpec((2 * H, H * D), lambda i: (0, 0)),
        ],
        out_specs=pl.BlockSpec((blk, H * D), lambda i: (i, 0)),
        out_shape=jax.ShapeDtypeStruct((N, H * D), jnp.float32),
    )(acc_p[0, :N], acc_p[1, :N], den_p[0, :N, :D], den_p[1, :N, :D], emat)
    return out

# --- scband reference (transcript-rebuilt; emitter-appended) ---
"""Pipeline reference for scband-cross-gatinversed-36009005809888 (READ-ONLY COPY).

The authoritative reference and input builder live on the scoring server;
editing this copy changes nothing except your own understanding.
"""

import jax, jax.numpy as jnp
import numpy as np

N_NODES = 10000
N_EDGES = 320000
NFEATS = 128
NHID = 128
NHEADS = 8
DHEAD = NHID // NHEADS
ALPHA = 0.2


def setup_inputs(seed: int = 0) -> dict:
    key = jax.random.key(seed)
    k1, k2, k3, k4 = jax.random.split(key, 4)
    x = jax.random.normal(k1, (N_NODES, NFEATS), dtype=jnp.float32)
    edge_index = jax.random.randint(k2, (2, N_EDGES), 0, N_NODES, dtype=jnp.int32)
    # Per-head linear W: xavier_uniform with gain=1.414 (as in DirectedGATLayerInversed)
    limit_w = 1.414 * np.sqrt(6.0 / (NFEATS + DHEAD))
    W = jax.random.uniform(k3, (NHEADS, DHEAD, NFEATS), dtype=jnp.float32, minval=-limit_w, maxval=limit_w)
    Wb = jnp.zeros((NHEADS, DHEAD), dtype=jnp.float32)
    # Per-head attention vector a: Linear(2*out_features, 1), xavier gain=1.414
    limit_a = 1.414 * np.sqrt(6.0 / (2 * DHEAD + 1))
    a = jax.random.uniform(k4, (NHEADS, 2 * DHEAD), dtype=jnp.float32, minval=-limit_a, maxval=limit_a)
    ab = jnp.zeros((NHEADS,), dtype=jnp.float32)
    return {"x": x, "edge_index": edge_index, "W": W, "Wb": Wb, "a": a, "ab": ab}


def reference(x, edge_index, W, Wb, a, ab):
    # Faithful translation of CrossGATInversed.forward for a fixed turn t:
    # the DGL edge filter (turn == t + offset) is assumed to have produced `edge_index`.
    # Dropout is identity (eval mode). Each head: Wh = W(h); e = leakyrelu(a([Wh_src||Wh_dst]));
    # softmax over incoming edges per dst node; h_prime = sum(attn * Wh_src).
    # Heads are concatenated along feature dim.
    src = edge_index[0]
    dst = edge_index[1]
    N = x.shape[0]
    # [H, N, DHEAD]
    Wh = jnp.einsum('nf,hof->hno', x, W) + Wb[:, None, :]
    Wh_src = Wh[:, src, :]  # [H, E, DHEAD] gather
    Wh_dst = Wh[:, dst, :]  # [H, E, DHEAD] gather
    cat = jnp.concatenate([Wh_src, Wh_dst], axis=-1)  # [H, E, 2*DHEAD]
    e = jnp.einsum('heo,ho->he', cat, a) + ab[:, None]  # [H, E]
    e = jax.nn.leaky_relu(e, ALPHA)
    # segment softmax over edges grouped by dst node
    seg_max = jax.vmap(lambda eh: jax.ops.segment_max(eh, dst, num_segments=N))(e)  # [H, N]
    ex = jnp.exp(e - seg_max[:, dst])
    denom = jax.vmap(lambda xh: jax.ops.segment_sum(xh, dst, num_segments=N))(ex)  # [H, N]
    attn = ex / denom[:, dst]  # [H, E]
    msg = attn[:, :, None] * Wh_src  # [H, E, DHEAD]
    hp = jax.vmap(lambda mh: jax.ops.segment_sum(mh, dst, num_segments=N))(msg)  # [H, N, DHEAD]
    out = jnp.transpose(hp, (1, 0, 2)).reshape(N, NHEADS * DHEAD)  # [N, NHID]
    return out

if __name__ == "__main__":
    import jax
    _d = setup_inputs()
    print(jax.jit(kernel)(*tuple(_d.values())))

</pallas_src>

<mosaic_0001>
#map = affine_map<(d0, d1) -> (0)>
#map1 = affine_map<(d0, d1) -> (0, 0)>
#map2 = affine_map<(d0, d1) -> (0, 0, 0)>
module attributes {stable_mosaic.version = 14 : i64} {
  func.func @_sc_edge(%arg0: i32, %arg1: i32, %arg2: memref<320000xi32, #tpu.memory_space<hbm>>, %arg3: memref<320000xi32, #tpu.memory_space<hbm>>, %arg4: memref<10000x128xf32, #tpu.memory_space<hbm>>, %arg5: memref<10000x128xf32, #tpu.memory_space<hbm>>, %arg6: memref<16xf32, #tpu.memory_space<hbm>>, %arg7: memref<2x10240x128xf32, #tpu.memory_space<hbm>>, %arg8: memref<320000x16xf32, #tpu.memory_space<hbm>>, %arg9: memref<80xi32, #tpu.memory_space<vmem>>, %arg10: memref<80xi32, #tpu.memory_space<vmem>>, %arg11: memref<80x128xf32, #tpu.memory_space<vmem>>, %arg12: memref<80x128xf32, #tpu.memory_space<vmem>>, %arg13: memref<80x16xf32, #tpu.memory_space<vmem>>, %arg14: memref<16xf32, #tpu.memory_space<vmem>>, %arg15: memref<!tpu.dma_semaphore, #tpu.memory_space<semaphore_mem>>, %arg16: memref<10240x128xf32, #tpu.memory_space<vmem_shared>>) attributes {dimension_semantics = [#tpu.dimension_semantics<core_parallel>, #tpu.dimension_semantics<subcore_parallel>], iteration_bounds = array<i64: 2, 16>, scalar_prefetch = 0 : i64, scratch_operands = 8 : i64, tpu.core_type = #tpu.core_type<sc_vector_subcore>, window_params = [{transform_indices = #map}, {transform_indices = #map}, {transform_indices = #map1}, {transform_indices = #map1}, {transform_indices = #map}, {transform_indices = #map2}, {transform_indices = #map1}]} {
    %mul3A = arith.constant 16 : i32
    %mul3A_0 = arith.muli %arg0, %mul3A : i32
    %add3A = arith.addi %mul3A_0, %arg1 : i32
    %broadcast_in_dim3A = arith.constant 0.000000e+00 : f32
    %broadcast_in_dim3A_1 = vector.broadcast %broadcast_in_dim3A : f32 to vector<16xf32>
    %iota3A = tpu.iota {dimensions = array<i32: 0>} : vector<16xi32>
    %mul3A_2 = arith.constant 640 : i32
    %mul3A_3 = arith.muli %arg1, %mul3A_2 : i32
    %scan3A = arith.constant 0 : i32
    %scan3A_4 = arith.constant 80 : i32
    %scan3A_5 = arith.addi %scan3A, %scan3A_4 : i32
    %scan3A_6 = arith.constant 1 : i32
    scf.for %scan3A_24 = %scan3A to %scan3A_5 step %scan3A_6  : i32 {
      %mul3A_25 = arith.constant 1 : i32
      %mul3A_26 = arith.muli %scan3A_24, %mul3A_25 : i32
      %add3A_27 = arith.constant 0 : i32
      %add3A_28 = arith.addi %add3A_27, %mul3A_26 : i32
      %swap3A = arith.index_cast %add3A_28 : i32 to index
      %swap3A_29 = arith.constant 0 : index
      %swap3A_30 = tpu.vector_load %arg12[%swap3A, %swap3A_29] {strides = array<i32>} : memref<80x128xf32, #tpu.memory_space<vmem>>, vector<1x16xf32>,
      %swap3A_31 = vector.shape_cast %swap3A_30 : vector<1x16xf32> to vector<16xf32>
      %swap3A_32 = vector.shape_cast %broadcast_in_dim3A_1 : vector<16xf32> to vector<1x16xf32>
      tpu.vector_store %arg12[%swap3A, %swap3A_29], %swap3A_32 {strides = array<i32>} : memref<80x128xf32, #tpu.memory_space<vmem>>, vector<1x16xf32>,
      %swap3A_33 = arith.index_cast %add3A_28 : i32 to index
      %swap3A_34 = arith.constant 16 : index
      %swap3A_35 = tpu.vector_load %arg12[%swap3A_33, %swap3A_34] {strides = array<i32>} : memref<80x128xf32, #tpu.memory_space<vmem>>, vector<1x16xf32>,
      %swap3A_36 = vector.shape_cast %swap3A_35 : vector<1x16xf32> to vector<16xf32>
      %swap3A_37 = vector.shape_cast %broadcast_in_dim3A_1 : vector<16xf32> to vector<1x16xf32>
      tpu.vector_store %arg12[%swap3A_33, %swap3A_34], %swap3A_37 {strides = array<i32>} : memref<80x128xf32, #tpu.memory_space<vmem>>, vector<1x16xf32>,
      %swap3A_38 = arith.index_cast %add3A_28 : i32 to index
      %swap3A_39 = arith.constant 32 : index
      %swap3A_40 = tpu.vector_load %arg12[%swap3A_38, %swap3A_39] {strides = array<i32>} : memref<80x128xf32, #tpu.memory_space<vmem>>, vector<1x16xf32>,
      %swap3A_41 = vector.shape_cast %swap3A_40 : vector<1x16xf32> to vector<16xf32>
      %swap3A_42 = vector.shape_cast %broadcast_in_dim3A_1 : vector<16xf32> to vector<1x16xf32>
      tpu.vector_store %arg12[%swap3A_38, %swap3A_39], %swap3A_42 {strides = array<i32>} : memref<80x128xf32, #tpu.memory_space<vmem>>, vector<1x16xf32>,
      %swap3A_43 = arith.index_cast %add3A_28 : i32 to index
      %swap3A_44 = arith.constant 48 : index
      %swap3A_45 = tpu.vector_load %arg12[%swap3A_43, %swap3A_44] {strides = array<i32>} : memref<80x128xf32, #tpu.memory_space<vmem>>, vector<1x16xf32>,
      %swap3A_46 = vector.shape_cast %swap3A_45 : vector<1x16xf32> to vector<16xf32>
      %swap3A_47 = vector.shape_cast %broadcast_in_dim3A_1 : vector<16xf32> to vector<1x16xf32>
      tpu.vector_store %arg12[%swap3A_43, %swap3A_44], %swap3A_47 {strides = array<i32>} : memref<80x128xf32, #tpu.memory_space<vmem>>, vector<1x16xf32>,
      %swap3A_48 = arith.index_cast %add3A_28 : i32 to index
      %swap3A_49 = arith.constant 64 : index
      %swap3A_50 = tpu.vector_load %arg12[%swap3A_48, %swap3A_49] {strides = array<i32>} : memref<80x128xf32, #tpu.memory_space<vmem>>, vector<1x16xf32>,
      %swap3A_51 = vector.shape_cast %swap3A_50 : vector<1x16xf32> to vector<16xf32>
      %swap3A_52 = vector.shape_cast %broadcast_in_dim3A_1 : vector<16xf32> to vector<1x16xf32>
      tpu.vector_store %arg12[%swap3A_48, %swap3A_49], %swap3A_52 {strides = array<i32>} : memref<80x128xf32, #tpu.memory_space<vmem>>, vector<1x16xf32>,
      %swap3A_53 = arith.index_cast %add3A_28 : i32 to index
      %swap3A_54 = arith.constant 80 : index
      %swap3A_55 = tpu.vector_load %arg12[%swap3A_53, %swap3A_54] {strides = array<i32>} : memref<80x128xf32, #tpu.memory_space<vmem>>, vector<1x16xf32>,
      %swap3A_56 = vector.shape_cast %swap3A_55 : vector<1x16xf32> to vector<16xf32>
      %swap3A_57 = vector.shape_cast %broadcast_in_dim3A_1 : vector<16xf32> to vector<1x16xf32>
      tpu.vector_store %arg12[%swap3A_53, %swap3A_54], %swap3A_57 {strides = array<i32>} : memref<80x128xf32, #tpu.memory_space<vmem>>, vector<1x16xf32>,
      %swap3A_58 = arith.index_cast %add3A_28 : i32 to index
      %swap3A_59 = arith.constant 96 : index
      %swap3A_60 = tpu.vector_load %arg12[%swap3A_58, %swap3A_59] {strides = array<i32>} : memref<80x128xf32, #tpu.memory_space<vmem>>, vector<1x16xf32>,
      %swap3A_61 = vector.shape_cast %swap3A_60 : vector<1x16xf32> to vector<16xf32>
      %swap3A_62 = vector.shape_cast %broadcast_in_dim3A_1 : vector<16xf32> to vector<1x16xf32>
      tpu.vector_store %arg12[%swap3A_58, %swap3A_59], %swap3A_62 {strides = array<i32>} : memref<80x128xf32, #tpu.memory_space<vmem>>, vector<1x16xf32>,
      %swap3A_63 = arith.index_cast %add3A_28 : i32 to index
      %swap3A_64 = arith.constant 112 : index
      %swap3A_65 = tpu.vector_load %arg12[%swap3A_63, %swap3A_64] {strides = array<i32>} : memref<80x128xf32, #tpu.memory_space<vmem>>, vector<1x16xf32>,
      %swap3A_66 = vector.shape_cast %swap3A_65 : vector<1x16xf32> to vector<16xf32>
      %swap3A_67 = vector.shape_cast %broadcast_in_dim3A_1 : vector<16xf32> to vector<1x16xf32>
      tpu.vector_store %arg12[%swap3A_63, %swap3A_64], %swap3A_67 {strides = array<i32>} : memref<80x128xf32, #tpu.memory_space<vmem>>, vector<1x16xf32>,
    }
    %scan3A_7 = arith.constant 80 : i32
    "tpu.region"() ({
      %run_scoped3A = tpu.sem_alloc : memref<!tpu.dma_semaphore, #tpu.memory_space<semaphore_mem>>
      tpu.enqueue_dma source(%arg6 : memref<16xf32, #tpu.memory_space<hbm>>) target(%arg14 : memref<16xf32, #tpu.memory_space<vmem>>) target_semaphore(%run_scoped3A : memref<!tpu.dma_semaphore, #tpu.memory_space<semaphore_mem>>)
      tpu.wait_dma2 semaphore(%run_scoped3A : memref<!tpu.dma_semaphore, #tpu.memory_space<semaphore_mem>>) src(%arg6 : memref<16xf32, #tpu.memory_space<hbm>>) dst(%arg14 : memref<16xf32, #tpu.memory_space<vmem>>)
      tpu.yield
    }) : () -> ()
    %scan3A_8 = arith.constant 0 : i32
    %scan3A_9 = arith.constant 8 : i32
    %scan3A_10 = arith.addi %scan3A_8, %scan3A_9 : i32
    %scan3A_11 = arith.constant 1 : i32
    scf.for %scan3A_24 = %scan3A_8 to %scan3A_10 step %scan3A_11  : i32 {
      %mul3A_25 = arith.constant 1 : i32
      %mul3A_26 = arith.muli %scan3A_24, %mul3A_25 : i32
      %add3A_27 = arith.constant 0 : i32
      %add3A_28 = arith.addi %add3A_27, %mul3A_26 : i32
      %mul3A_29 = arith.constant 80 : i32
      %mul3A_30 = arith.muli %add3A_28, %mul3A_29 : i32
      %add3A_31 = arith.addi %mul3A_3, %mul3A_30 : i32
      %scan3A_32 = arith.constant 0 : i32
      %scan3A_33 = arith.constant 5 : i32
      %scan3A_34 = arith.addi %scan3A_32, %scan3A_33 : i32
      %scan3A_35 = arith.constant 1 : i32
      scf.for %scan3A_37 = %scan3A_32 to %scan3A_34 step %scan3A_35  : i32 {
        %mul3A_38 = arith.constant 1 : i32
        %mul3A_39 = arith.muli %scan3A_37, %mul3A_38 : i32
        %add3A_40 = arith.constant 0 : i32
        %add3A_41 = arith.addi %add3A_40, %mul3A_39 : i32
        %mul3A_42 = arith.constant 16 : i32
        %mul3A_43 = arith.muli %add3A_41, %mul3A_42 : i32
        %add3A_44 = arith.addi %add3A_31, %mul3A_43 : i32
        %add3A_45 = vector.broadcast %add3A_44 : i32 to vector<16xi32>
        %add3A_46 = arith.addi %iota3A, %add3A_45 : vector<16xi32>
        %mul3A_47 = arith.constant 16 : i32
        %mul3A_48 = arith.muli %add3A_41, %mul3A_47 : i32
        %swap3A = arith.index_cast %mul3A_48 : i32 to index
        %swap3A_49 = tpu.vector_load %arg9[%swap3A] {strides = array<i32>} : memref<80xi32, #tpu.memory_space<vmem>>, vector<16xi32>,
        %swap3A_50 = vector.shape_cast %swap3A_49 : vector<16xi32> to vector<16xi32>
        %swap3A_51 = vector.shape_cast %add3A_46 : vector<16xi32> to vector<16xi32>
        tpu.vector_store %arg9[%swap3A], %swap3A_51 {strides = array<i32>} : memref<80xi32, #tpu.memory_space<vmem>>, vector<16xi32>,
      }
      %scan3A_36 = arith.constant 5 : i32
      "tpu.region"() ({
        %run_scoped3A = tpu.sem_alloc : memref<!tpu.dma_semaphore, #tpu.memory_space<semaphore_mem>>
        %dma_start3A = arith.constant 0 : i32
        %dma_start3A_37 = arith.constant 0 : i32
        %dma_start3A_38 = tpu.memref_slice %arg16[%dma_start3A, %dma_start3A_37] : memref<10240x128xf32, #tpu.memory_space<vmem_shared>> -> memref<10240x128xf32, #tpu.memory_space<vmem_shared>>
        tpu.enqueue_indirect_dma source(%arg12 : memref<80x128xf32, #tpu.memory_space<vmem>>) target(%dma_start3A_38 : memref<10240x128xf32, #tpu.memory_space<vmem_shared>>) offsets(%arg9 : memref<80xi32, #tpu.memory_space<vmem>>) semaphore(%run_scoped3A : memref<!tpu.dma_semaphore, #tpu.memory_space<semaphore_mem>>)
        %dma_wait3A = arith.constant 0 : i32
        %dma_wait3A_39 = arith.constant 0 : i32
        %dma_wait3A_40 = tpu.memref_slice %arg16[%dma_wait3A, %dma_wait3A_39] : memref<10240x128xf32, #tpu.memory_space<vmem_shared>> -> memref<10240x128xf32, #tpu.memory_space<vmem_shared>>
        tpu.wait_indirect_dma semaphore(%run_scoped3A : memref<!tpu.dma_semaphore, #tpu.memory_space<semaphore_mem>>) src(%arg12 : memref<80x128xf32, #tpu.memory_space<vmem>>) dst(%dma_wait3A_40 : memref<10240x128xf32, #tpu.memory_space<vmem_shared>>)
        tpu.yield
      }) : () -> ()
    }
    %scan3A_12 = arith.constant 8 : i32
    %barrier3A = arith.constant 0 : index
    tpu.barrier barrier_id(%barrier3A)
    %scan3A_13 = arith.constant 0 : i32
    %scan3A_14 = arith.constant 125 : i32
    %scan3A_15 = arith.addi %scan3A_13, %scan3A_14 : i32
    %scan3A_16 = arith.constant 1 : i32
    scf.for %scan3A_24 = %scan3A_13 to %scan3A_15 step %scan3A_16  : i32 {
      %mul3A_25 = arith.constant 1 : i32
      %mul3A_26 = arith.muli %scan3A_24, %mul3A_25 : i32
      %add3A_27 = arith.constant 0 : i32
      %add3A_28 = arith.addi %add3A_27, %mul3A_26 : i32
      %mul3A_29 = arith.constant 10000 : i32
      %mul3A_30 = arith.muli %add3A, %mul3A_29 : i32
      %mul3A_31 = arith.constant 80 : i32
      %mul3A_32 = arith.muli %add3A_28, %mul3A_31 : i32
      %add3A_33 = arith.addi %mul3A_30, %mul3A_32 : i32
      "tpu.region"() ({
        %run_scoped3A = tpu.sem_alloc : memref<!tpu.dma_semaphore, #tpu.memory_space<semaphore_mem>>
        %dma_start3A_55 = tpu.memref_slice %arg2[%add3A_33] : memref<320000xi32, #tpu.memory_space<hbm>> -> memref<80xi32, #tpu.memory_space<hbm>>
        %dma_start3A_56 = tpu.memref_slice %arg2[%add3A_33] : memref<320000xi32, #tpu.memory_space<hbm>> -> memref<80xi32, #tpu.memory_space<hbm>>
        tpu.enqueue_dma source(%dma_start3A_56 : memref<80xi32, #tpu.memory_space<hbm>>) target(%arg9 : memref<80xi32, #tpu.memory_space<vmem>>) target_semaphore(%run_scoped3A : memref<!tpu.dma_semaphore, #tpu.memory_space<semaphore_mem>>)
        %dma_wait3A_57 = tpu.memref_slice %arg2[%add3A_33] : memref<320000xi32, #tpu.memory_space<hbm>> -> memref<80xi32, #tpu.memory_space<hbm>>
        %dma_wait3A_58 = tpu.memref_slice %arg2[%add3A_33] : memref<320000xi32, #tpu.memory_space<hbm>> -> memref<80xi32, #tpu.memory_space<hbm>>
        tpu.wait_dma2 semaphore(%run_scoped3A : memref<!tpu.dma_semaphore, #tpu.memory_space<semaphore_mem>>) src(%dma_wait3A_58 : memref<80xi32, #tpu.memory_space<hbm>>) dst(%arg9 : memref<80xi32, #tpu.memory_space<vmem>>)
        tpu.yield
      }) : () -> ()
      "tpu.region"() ({
        %run_scoped3A = tpu.sem_alloc : memref<!tpu.dma_semaphore, #tpu.memory_space<semaphore_mem>>
        %dma_start3A_55 = tpu.memref_slice %arg3[%add3A_33] : memref<320000xi32, #tpu.memory_space<hbm>> -> memref<80xi32, #tpu.memory_space<hbm>>
        %dma_start3A_56 = tpu.memref_slice %arg3[%add3A_33] : memref<320000xi32, #tpu.memory_space<hbm>> -> memref<80xi32, #tpu.memory_space<hbm>>
        tpu.enqueue_dma source(%dma_start3A_56 : memref<80xi32, #tpu.memory_space<hbm>>) target(%arg10 : memref<80xi32, #tpu.memory_space<vmem>>) target_semaphore(%run_scoped3A : memref<!tpu.dma_semaphore, #tpu.memory_space<semaphore_mem>>)
        %dma_wait3A_57 = tpu.memref_slice %arg3[%add3A_33] : memref<320000xi32, #tpu.memory_space<hbm>> -> memref<80xi32, #tpu.memory_space<hbm>>
        %dma_wait3A_58 = tpu.memref_slice %arg3[%add3A_33] : memref<320000xi32, #tpu.memory_space<hbm>> -> memref<80xi32, #tpu.memory_space<hbm>>
        tpu.wait_dma2 semaphore(%run_scoped3A : memref<!tpu.dma_semaphore, #tpu.memory_space<semaphore_mem>>) src(%dma_wait3A_58 : memref<80xi32, #tpu.memory_space<hbm>>) dst(%arg10 : memref<80xi32, #tpu.memory_space<vmem>>)
        tpu.yield
      }) : () -> ()
      "tpu.region"() ({
        %run_scoped3A = tpu.sem_alloc : memref<!tpu.dma_semaphore, #tpu.memory_space<semaphore_mem>>
        %dma_start3A_55 = arith.constant 0 : i32
        %dma_start3A_56 = arith.constant 0 : i32
        %dma_start3A_57 = tpu.memref_slice %arg5[%dma_start3A_55, %dma_start3A_56] : memref<10000x128xf32, #tpu.memory_space<hbm>> -> memref<10000x128xf32, #tpu.memory_space<hbm>>
        tpu.enqueue_indirect_dma source(%dma_start3A_57 : memref<10000x128xf32, #tpu.memory_space<hbm>>) target(%arg11 : memref<80x128xf32, #tpu.memory_space<vmem>>) offsets(%arg9 : memref<80xi32, #tpu.memory_space<vmem>>) semaphore(%run_scoped3A : memref<!tpu.dma_semaphore, #tpu.memory_space<semaphore_mem>>)
        %dma_wait3A_58 = arith.constant 0 : i32
        %dma_wait3A_59 = arith.constant 0 : i32
        %dma_wait3A_60 = tpu.memref_slice %arg5[%dma_wait3A_58, %dma_wait3A_59] : memref<10000x128xf32, #tpu.memory_space<hbm>> -> memref<10000x128xf32, #tpu.memory_space<hbm>>
        tpu.wait_indirect_dma semaphore(%run_scoped3A : memref<!tpu.dma_semaphore, #tpu.memory_space<semaphore_mem>>) src(%dma_wait3A_60 : memref<10000x128xf32, #tpu.memory_space<hbm>>) dst(%arg11 : memref<80x128xf32, #tpu.memory_space<vmem>>)
        tpu.yield
      }) : () -> ()
      %dma_start3A = arith.constant 0 : i32
      %dma_start3A_34 = arith.constant 0 : i32
      %dma_start3A_35 = tpu.memref_slice %arg4[%dma_start3A, %dma_start3A_34] : memref<10000x128xf32, #tpu.memory_space<hbm>> -> memref<10000x128xf32, #tpu.memory_space<hbm>>
      tpu.enqueue_indirect_dma source(%dma_start3A_35 : memref<10000x128xf32, #tpu.memory_space<hbm>>) target(%arg12 : memref<80x128xf32, #tpu.memory_space<vmem>>) offsets(%arg9 : memref<80xi32, #tpu.memory_space<vmem>>) semaphore(%arg15 : memref<!tpu.dma_semaphore, #tpu.memory_space<semaphore_mem>>)
      %scan3A_36 = arith.constant 0 : i32
      %scan3A_37 = arith.constant 80 : i32
      %scan3A_38 = arith.addi %scan3A_36, %scan3A_37 : i32
      %scan3A_39 = arith.constant 1 : i32
      scf.for %scan3A_55 = %scan3A_36 to %scan3A_38 step %scan3A_39  : i32 {
        %mul3A_56 = arith.constant 1 : i32
        %mul3A_57 = arith.muli %scan3A_55, %mul3A_56 : i32
        %add3A_58 = arith.constant 0 : i32
        %add3A_59 = arith.addi %add3A_58, %mul3A_57 : i32
        %get3A_60 = arith.index_cast %add3A_59 : i32 to index
        %get3A_61 = arith.constant 0 : index
        %get3A_62 = tpu.vector_load %arg11[%get3A_60, %get3A_61] {strides = array<i32>} : memref<80x128xf32, #tpu.memory_space<vmem>>, vector<1x16xf32>,
        %get3A_63 = vector.shape_cast %get3A_62 : vector<1x16xf32> to vector<16xf32>
        %swap3A = arith.index_cast %add3A_59 : i32 to index
        %swap3A_64 = arith.constant 0 : index
        %swap3A_65 = tpu.vector_load %arg13[%swap3A, %swap3A_64] {strides = array<i32>} : memref<80x16xf32, #tpu.memory_space<vmem>>, vector<1x16xf32>,
        %swap3A_66 = vector.shape_cast %swap3A_65 : vector<1x16xf32> to vector<16xf32>
        %swap3A_67 = vector.shape_cast %get3A_63 : vector<16xf32> to vector<1x16xf32>
        tpu.vector_store %arg13[%swap3A, %swap3A_64], %swap3A_67 {strides = array<i32>} : memref<80x16xf32, #tpu.memory_space<vmem>>, vector<1x16xf32>,
      }
      %scan3A_40 = arith.constant 80 : i32
      "tpu.region"() ({
        %run_scoped3A = tpu.sem_alloc : memref<!tpu.dma_semaphore, #tpu.memory_space<semaphore_mem>>
        %dma_start3A_55 = arith.constant 0 : i32
        %dma_start3A_56 = arith.constant 0 : i32
        %dma_start3A_57 = tpu.memref_slice %arg5[%dma_start3A_55, %dma_start3A_56] : memref<10000x128xf32, #tpu.memory_space<hbm>> -> memref<10000x128xf32, #tpu.memory_space<hbm>>
        tpu.enqueue_indirect_dma source(%dma_start3A_57 : memref<10000x128xf32, #tpu.memory_space<hbm>>) target(%arg11 : memref<80x128xf32, #tpu.memory_space<vmem>>) offsets(%arg10 : memref<80xi32, #tpu.memory_space<vmem>>) semaphore(%run_scoped3A : memref<!tpu.dma_semaphore, #tpu.memory_space<semaphore_mem>>)
        %dma_wait3A_58 = arith.constant 0 : i32
        %dma_wait3A_59 = arith.constant 0 : i32
        %dma_wait3A_60 = tpu.memref_slice %arg5[%dma_wait3A_58, %dma_wait3A_59] : memref<10000x128xf32, #tpu.memory_space<hbm>> -> memref<10000x128xf32, #tpu.memory_space<hbm>>
        tpu.wait_indirect_dma semaphore(%run_scoped3A : memref<!tpu.dma_semaphore, #tpu.memory_space<semaphore_mem>>) src(%dma_wait3A_60 : memref<10000x128xf32, #tpu.memory_space<hbm>>) dst(%arg11 : memref<80x128xf32, #tpu.memory_space<vmem>>)
        tpu.yield
      }) : () -> ()
      %get3A = arith.constant 0 : index
      %get3A_41 = tpu.vector_load %arg14[%get3A] {strides = array<i32>} : memref<16xf32, #tpu.memory_space<vmem>>, vector<16xf32>,
      %get3A_42 = vector.shape_cast %get3A_41 : vector<16xf32> to vector<16xf32>
      %scan3A_43 = arith.constant 0 : i32
      %scan3A_44 = arith.constant 80 : i32
      %scan3A_45 = arith.addi %scan3A_43, %scan3A_44 : i32
      %scan3A_46 = arith.constant 1 : i32
      scf.for %scan3A_55 = %scan3A_43 to %scan3A_45 step %scan3A_46  : i32 {
        %mul3A_56 = arith.constant 1 : i32
        %mul3A_57 = arith.muli %scan3A_55, %mul3A_56 : i32
        %add3A_58 = arith.constant 0 : i32
        %add3A_59 = arith.addi %add3A_58, %mul3A_57 : i32
        %get3A_60 = arith.index_cast %add3A_59 : i32 to index
        %get3A_61 = arith.constant 0 : index
        %get3A_62 = tpu.vector_load %arg13[%get3A_60, %get3A_61] {strides = array<i32>} : memref<80x16xf32, #tpu.memory_space<vmem>>, vector<1x16xf32>,
        %get3A_63 = vector.shape_cast %get3A_62 : vector<1x16xf32> to vector<16xf32>
        %get3A_64 = arith.index_cast %add3A_59 : i32 to index
        %get3A_65 = arith.constant 16 : index
        %get3A_66 = tpu.vector_load %arg11[%get3A_64, %get3A_65] {strides = array<i32>} : memref<80x128xf32, #tpu.memory_space<vmem>>, vector<1x16xf32>,
        %get3A_67 = vector.shape_cast %get3A_66 : vector<1x16xf32> to vector<16xf32>
        %add3A_68 = arith.addf %get3A_63, %get3A_67 : vector<16xf32>
        %mul3A_69 = arith.constant 2.000000e-01 : f32
        %mul3A_70 = vector.broadcast %mul3A_69 : f32 to vector<16xf32>
        %mul3A_71 = arith.mulf %mul3A_70, %add3A_68 : vector<16xf32>
        %max3A = arith.maximumf %add3A_68, %mul3A_71 : vector<16xf32>
        %sub3A = arith.subf %max3A, %get3A_42 : vector<16xf32>
        %exp3A = math.exp %sub3A : vector<16xf32>
        %swap3A = arith.index_cast %add3A_59 : i32 to index
        %swap3A_72 = arith.constant 0 : index
        %swap3A_73 = tpu.vector_load %arg13[%swap3A, %swap3A_72] {strides = array<i32>} : memref<80x16xf32, #tpu.memory_space<vmem>>, vector<1x16xf32>,
        %swap3A_74 = vector.shape_cast %swap3A_73 : vector<1x16xf32> to vector<16xf32>
        %swap3A_75 = vector.shape_cast %exp3A : vector<16xf32> to vector<1x16xf32>
        tpu.vector_store %arg13[%swap3A, %swap3A_72], %swap3A_75 {strides = array<i32>} : memref<80x16xf32, #tpu.memory_space<vmem>>, vector<1x16xf32>,
      }
      %scan3A_47 = arith.constant 80 : i32
      %dma_wait3A = arith.constant 0 : i32
      %dma_wait3A_48 = arith.constant 0 : i32
      %dma_wait3A_49 = tpu.memref_slice %arg4[%dma_wait3A, %dma_wait3A_48] : memref<10000x128xf32, #tpu.memory_space<hbm>> -> memref<10000x128xf32, #tpu.memory_space<hbm>>
      tpu.wait_indirect_dma semaphore(%arg15 : memref<!tpu.dma_semaphore, #tpu.memory_space<semaphore_mem>>) src(%dma_wait3A_49 : memref<10000x128xf32, #tpu.memory_space<hbm>>) dst(%arg12 : memref<80x128xf32, #tpu.memory_space<vmem>>)
      %scan3A_50 = arith.constant 0 : i32
      %scan3A_51 = arith.constant 80 : i32
      %scan3A_52 = arith.addi %scan3A_50, %scan3A_51 : i32
      %scan3A_53 = arith.constant 1 : i32
      scf.for %scan3A_55 = %scan3A_50 to %scan3A_52 step %scan3A_53  : i32 {
        %mul3A_56 = arith.constant 1 : i32
        %mul3A_57 = arith.muli %scan3A_55, %mul3A_56 : i32
        %add3A_58 = arith.constant 0 : i32
        %add3A_59 = arith.addi %add3A_58, %mul3A_57 : i32
        %get3A_60 = arith.index_cast %add3A_59 : i32 to index
        %get3A_61 = arith.constant 0 : index
        %get3A_62 = tpu.vector_load %arg13[%get3A_60, %get3A_61] {strides = array<i32>} : memref<80x16xf32, #tpu.memory_space<vmem>>, vector<1x16xf32>,
        %get3A_63 = vector.shape_cast %get3A_62 : vector<1x16xf32> to vector<16xf32>
        %slice3A = vector.extract_strided_slice %get3A_63 {offsets = [0], sizes = [1], strides = [1]} : vector<16xf32> to vector<1xf32>
        %squeeze3A = vector.extract %slice3A[0] : f32 from vector<1xf32>
        %get3A_64 = arith.index_cast %add3A_59 : i32 to index
        %get3A_65 = arith.constant 0 : index
        %get3A_66 = tpu.vector_load %arg12[%get3A_64, %get3A_65] {strides = array<i32>} : memref<80x128xf32, #tpu.memory_space<vmem>>, vector<1x16xf32>,
        %get3A_67 = vector.shape_cast %get3A_66 : vector<1x16xf32> to vector<16xf32>
        %mul3A_68 = vector.broadcast %squeeze3A : f32 to vector<16xf32>
        %mul3A_69 = arith.mulf %get3A_67, %mul3A_68 : vector<16xf32>
        %swap3A = arith.index_cast %add3A_59 : i32 to index
        %swap3A_70 = arith.constant 0 : index
        %swap3A_71 = tpu.vector_load %arg12[%swap3A, %swap3A_70] {strides = array<i32>} : memref<80x128xf32, #tpu.memory_space<vmem>>, vector<1x16xf32>,
        %swap3A_72 = vector.shape_cast %swap3A_71 : vector<1x16xf32> to vector<16xf32>
        %swap3A_73 = vector.shape_cast %mul3A_69 : vector<16xf32> to vector<1x16xf32>
        tpu.vector_store %arg12[%swap3A, %swap3A_70], %swap3A_73 {strides = array<i32>} : memref<80x128xf32, #tpu.memory_space<vmem>>, vector<1x16xf32>,
        %slice3A_74 = vector.extract_strided_slice %get3A_63 {offsets = [1], sizes = [1], strides = [1]} : vector<16xf32> to vector<1xf32>
        %squeeze3A_75 = vector.extract %slice3A_74[0] : f32 from vector<1xf32>
        %get3A_76 = arith.index_cast %add3A_59 : i32 to index
        %get3A_77 = arith.constant 16 : index
        %get3A_78 = tpu.vector_load %arg12[%get3A_76, %get3A_77] {strides = array<i32>} : memref<80x128xf32, #tpu.memory_space<vmem>>, vector<1x16xf32>,
        %get3A_79 = vector.shape_cast %get3A_78 : vector<1x16xf32> to vector<16xf32>
        %mul3A_80 = vector.broadcast %squeeze3A_75 : f32 to vector<16xf32>
        %mul3A_81 = arith.mulf %get3A_79, %mul3A_80 : vector<16xf32>
        %swap3A_82 = arith.index_cast %add3A_59 : i32 to index
        %swap3A_83 = arith.constant 16 : index
        %swap3A_84 = tpu.vector_load %arg12[%swap3A_82, %swap3A_83] {strides = array<i32>} : memref<80x128xf32, #tpu.memory_space<vmem>>, vector<1x16xf32>,
        %swap3A_85 = vector.shape_cast %swap3A_84 : vector<1x16xf32> to vector<16xf32>
        %swap3A_86 = vector.shape_cast %mul3A_81 : vector<16xf32> to vector<1x16xf32>
        tpu.vector_store %arg12[%swap3A_82, %swap3A_83], %swap3A_86 {strides = array<i32>} : memref<80x128xf32, #tpu.memory_space<vmem>>, vector<1x16xf32>,
        %slice3A_87 = vector.extract_strided_slice %get3A_63 {offsets = [2], sizes = [1], strides = [1]} : vector<16xf32> to vector<1xf32>
        %squeeze3A_88 = vector.extract %slice3A_87[0] : f32 from vector<1xf32>
        %get3A_89 = arith.index_cast %add3A_59 : i32 to index
        %get3A_90 = arith.constant 32 : index
        %get3A_91 = tpu.vector_load %arg12[%get3A_89, %get3A_90] {strides = array<i32>} : memref<80x128xf32, #tpu.memory_space<vmem>>, vector<1x16xf32>,
        %get3A_92 = vector.shape_cast %get3A_91 : vector<1x16xf32> to vector<16xf32>
        %mul3A_93 = vector.broadcast %squeeze3A_88 : f32 to vector<16xf32>
        %mul3A_94 = arith.mulf %get3A_92, %mul3A_93 : vector<16xf32>
        %swap3A_95 = arith.index_cast %add3A_59 : i32 to index
        %swap3A_96 = arith.constant 32 : index
        %swap3A_97 = tpu.vector_load %arg12[%swap3A_95, %swap3A_96] {strides = array<i32>} : memref<80x128xf32, #tpu.memory_space<vmem>>, vector<1x16xf32>,
        %swap3A_98 = vector.shape_cast %swap3A_97 : vector<1x16xf32> to vector<16xf32>
        %swap3A_99 = vector.shape_cast %mul3A_94 : vector<16xf32> to vector<1x16xf32>
        tpu.vector_store %arg12[%swap3A_95, %swap3A_96], %swap3A_99 {strides = array<i32>} : memref<80x128xf32, #tpu.memory_space<vmem>>, vector<1x16xf32>,
        %slice3A_100 = vector.extract_strided_slice %get3A_63 {offsets = [3], sizes = [1], strides = [1]} : vector<16xf32> to vector<1xf32>
        %squeeze3A_101 = vector.extract %slice3A_100[0] : f32 from vector<1xf32>
        %get3A_102 = arith.index_cast %add3A_59 : i32 to index
        %get3A_103 = arith.constant 48 : index
        %get3A_104 = tpu.vector_load %arg12[%get3A_102, %get3A_103] {strides = array<i32>} : memref<80x128xf32, #tpu.memory_space<vmem>>, vector<1x16xf32>,
        %get3A_105 = vector.shape_cast %get3A_104 : vector<1x16xf32> to vector<16xf32>
        %mul3A_106 = vector.broadcast %squeeze3A_101 : f32 to vector<16xf32>
        %mul3A_107 = arith.mulf %get3A_105, %mul3A_106 : vector<16xf32>
        %swap3A_108 = arith.index_cast %add3A_59 : i32 to index
        %swap3A_109 = arith.constant 48 : index
        %swap3A_110 = tpu.vector_load %arg12[%swap3A_108, %swap3A_109] {strides = array<i32>} : memref<80x128xf32, #tpu.memory_space<vmem>>, vector<1x16xf32>,
        %swap3A_111 = vector.shape_cast %swap3A_110 : vector<1x16xf32> to vector<16xf32>
        %swap3A_112 = vector.shape_cast %mul3A_107 : vector<16xf32> to vector<1x16xf32>
        tpu.vector_store %arg12[%swap3A_108, %swap3A_109], %swap3A_112 {strides = array<i32>} : memref<80x128xf32, #tpu.memory_space<vmem>>, vector<1x16xf32>,
        %slice3A_113 = vector.extract_strided_slice %get3A_63 {offsets = [4], sizes = [1], strides = [1]} : vector<16xf32> to vector<1xf32>
        %squeeze3A_114 = vector.extract %slice3A_113[0] : f32 from vector<1xf32>
        %get3A_115 = arith.index_cast %add3A_59 : i32 to index
        %get3A_116 = arith.constant 64 : index
        %get3A_117 = tpu.vector_load %arg12[%get3A_115, %get3A_116] {strides = array<i32>} : memref<80x128xf32, #tpu.memory_space<vmem>>, vector<1x16xf32>,
        %get3A_118 = vector.shape_cast %get3A_117 : vector<1x16xf32> to vector<16xf32>
        %mul3A_119 = vector.broadcast %squeeze3A_114 : f32 to vector<16xf32>
        %mul3A_120 = arith.mulf %get3A_118, %mul3A_119 : vector<16xf32>
        %swap3A_121 = arith.index_cast %add3A_59 : i32 to index
        %swap3A_122 = arith.constant 64 : index
        %swap3A_123 = tpu.vector_load %arg12[%swap3A_121, %swap3A_122] {strides = array<i32>} : memref<80x128xf32, #tpu.memory_space<vmem>>, vector<1x16xf32>,
        %swap3A_124 = vector.shape_cast %swap3A_123 : vector<1x16xf32> to vector<16xf32>
        %swap3A_125 = vector.shape_cast %mul3A_120 : vector<16xf32> to vector<1x16xf32>
        tpu.vector_store %arg12[%swap3A_121, %swap3A_122], %swap3A_125 {strides = array<i32>} : memref<80x128xf32, #tpu.memory_space<vmem>>, vector<1x16xf32>,
        %slice3A_126 = vector.extract_strided_slice %get3A_63 {offsets = [5], sizes = [1], strides = [1]} : vector<16xf32> to vector<1xf32>
        %squeeze3A_127 = vector.extract %slice3A_126[0] : f32 from vector<1xf32>
        %get3A_128 = arith.index_cast %add3A_59 : i32 to index
        %get3A_129 = arith.constant 80 : index
        %get3A_130 = tpu.vector_load %arg12[%get3A_128, %get3A_129] {strides = array<i32>} : memref<80x128xf32, #tpu.memory_space<vmem>>, vector<1x16xf32>,
        %get3A_131 = vector.shape_cast %get3A_130 : vector<1x16xf32> to vector<16xf32>
        %mul3A_132 = vector.broadcast %squeeze3A_127 : f32 to vector<16xf32>
        %mul3A_133 = arith.mulf %get3A_131, %mul3A_132 : vector<16xf32>
        %swap3A_134 = arith.index_cast %add3A_59 : i32 to index
        %swap3A_135 = arith.constant 80 : index
        %swap3A_136 = tpu.vector_load %arg12[%swap3A_134, %swap3A_135] {strides = array<i32>} : memref<80x128xf32, #tpu.memory_space<vmem>>, vector<1x16xf32>,
        %swap3A_137 = vector.shape_cast %swap3A_136 : vector<1x16xf32> to vector<16xf32>
        %swap3A_138 = vector.shape_cast %mul3A_133 : vector<16xf32> to vector<1x16xf32>
        tpu.vector_store %arg12[%swap3A_134, %swap3A_135], %swap3A_138 {strides = array<i32>} : memref<80x128xf32, #tpu.memory_space<vmem>>, vector<1x16xf32>,
        %slice3A_139 = vector.extract_strided_slice %get3A_63 {offsets = [6], sizes = [1], strides = [1]} : vector<16xf32> to vector<1xf32>
        %squeeze3A_140 = vector.extract %slice3A_139[0] : f32 from vector<1xf32>
        %get3A_141 = arith.index_cast %add3A_59 : i32 to index
        %get3A_142 = arith.constant 96 : index
        %get3A_143 = tpu.vector_load %arg12[%get3A_141, %get3A_142] {strides = array<i32>} : memref<80x128xf32, #tpu.memory_space<vmem>>, vector<1x16xf32>,
        %get3A_144 = vector.shape_cast %get3A_143 : vector<1x16xf32> to vector<16xf32>
        %mul3A_145 = vector.broadcast %squeeze3A_140 : f32 to vector<16xf32>
        %mul3A_146 = arith.mulf %get3A_144, %mul3A_145 : vector<16xf32>
        %swap3A_147 = arith.index_cast %add3A_59 : i32 to index
        %swap3A_148 = arith.constant 96 : index
        %swap3A_149 = tpu.vector_load %arg12[%swap3A_147, %swap3A_148] {strides = array<i32>} : memref<80x128xf32, #tpu.memory_space<vmem>>, vector<1x16xf32>,
        %swap3A_150 = vector.shape_cast %swap3A_149 : vector<1x16xf32> to vector<16xf32>
        %swap3A_151 = vector.shape_cast %mul3A_146 : vector<16xf32> to vector<1x16xf32>
        tpu.vector_store %arg12[%swap3A_147, %swap3A_148], %swap3A_151 {strides = array<i32>} : memref<80x128xf32, #tpu.memory_space<vmem>>, vector<1x16xf32>,
        %slice3A_152 = vector.extract_strided_slice %get3A_63 {offsets = [7], sizes = [1], strides = [1]} : vector<16xf32> to vector<1xf32>
        %squeeze3A_153 = vector.extract %slice3A_152[0] : f32 from vector<1xf32>
        %get3A_154 = arith.index_cast %add3A_59 : i32 to index
        %get3A_155 = arith.constant 112 : index
        %get3A_156 = tpu.vector_load %arg12[%get3A_154, %get3A_155] {strides = array<i32>} : memref<80x128xf32, #tpu.memory_space<vmem>>, vector<1x16xf32>,
        %get3A_157 = vector.shape_cast %get3A_156 : vector<1x16xf32> to vector<16xf32>
        %mul3A_158 = vector.broadcast %squeeze3A_153 : f32 to vector<16xf32>
        %mul3A_159 = arith.mulf %get3A_157, %mul3A_158 : vector<16xf32>
        %swap3A_160 = arith.index_cast %add3A_59 : i32 to index
        %swap3A_161 = arith.constant 112 : index
        %swap3A_162 = tpu.vector_load %arg12[%swap3A_160, %swap3A_161] {strides = array<i32>} : memref<80x128xf32, #tpu.memory_space<vmem>>, vector<1x16xf32>,
        %swap3A_163 = vector.shape_cast %swap3A_162 : vector<1x16xf32> to vector<16xf32>
        %swap3A_164 = vector.shape_cast %mul3A_159 : vector<16xf32> to vector<1x16xf32>
        tpu.vector_store %arg12[%swap3A_160, %swap3A_161], %swap3A_164 {strides = array<i32>} : memref<80x128xf32, #tpu.memory_space<vmem>>, vector<1x16xf32>,
      }
      %scan3A_54 = arith.constant 80 : i32
      "tpu.region"() ({
        %run_scoped3A = tpu.sem_alloc : memref<!tpu.dma_semaphore, #tpu.memory_space<semaphore_mem>>
        %dma_start3A_55 = arith.constant 0 : i32
        %dma_start3A_56 = tpu.memref_slice %arg8[%add3A_33, %dma_start3A_55] : memref<320000x16xf32, #tpu.memory_space<hbm>> -> memref<80x16xf32, #tpu.memory_space<hbm>>
        %dma_start3A_57 = arith.constant 0 : i32
        %dma_start3A_58 = tpu.memref_slice %arg8[%add3A_33, %dma_start3A_57] : memref<320000x16xf32, #tpu.memory_space<hbm>> -> memref<80x16xf32, #tpu.memory_space<hbm>>
        tpu.enqueue_dma source(%arg13 : memref<80x16xf32, #tpu.memory_space<vmem>>) target(%dma_start3A_58 : memref<80x16xf32, #tpu.memory_space<hbm>>) target_semaphore(%run_scoped3A : memref<!tpu.dma_semaphore, #tpu.memory_space<semaphore_mem>>)
        %dma_wait3A_59 = arith.constant 0 : i32
        %dma_wait3A_60 = tpu.memref_slice %arg8[%add3A_33, %dma_wait3A_59] : memref<320000x16xf32, #tpu.memory_space<hbm>> -> memref<80x16xf32, #tpu.memory_space<hbm>>
        %dma_wait3A_61 = arith.constant 0 : i32
        %dma_wait3A_62 = tpu.memref_slice %arg8[%add3A_33, %dma_wait3A_61] : memref<320000x16xf32, #tpu.memory_space<hbm>> -> memref<80x16xf32, #tpu.memory_space<hbm>>
        tpu.wait_dma2 semaphore(%run_scoped3A : memref<!tpu.dma_semaphore, #tpu.memory_space<semaphore_mem>>) src(%arg13 : memref<80x16xf32, #tpu.memory_space<vmem>>) dst(%dma_wait3A_62 : memref<80x16xf32, #tpu.memory_space<hbm>>)
        tpu.yield
      }) : () -> ()
      "tpu.region"() ({
        %run_scoped3A = tpu.sem_alloc : memref<!tpu.dma_semaphore, #tpu.memory_space<semaphore_mem>>
        %dma_start3A_55 = arith.constant 0 : i32
        %dma_start3A_56 = arith.constant 0 : i32
        %dma_start3A_57 = tpu.memref_slice %arg16[%dma_start3A_55, %dma_start3A_56] : memref<10240x128xf32, #tpu.memory_space<vmem_shared>> -> memref<10240x128xf32, #tpu.memory_space<vmem_shared>>
        tpu.enqueue_indirect_dma source(%arg12 : memref<80x128xf32, #tpu.memory_space<vmem>>) target(%dma_start3A_57 : memref<10240x128xf32, #tpu.memory_space<vmem_shared>>) offsets(%arg10 : memref<80xi32, #tpu.memory_space<vmem>>) semaphore(%run_scoped3A : memref<!tpu.dma_semaphore, #tpu.memory_space<semaphore_mem>>) {add = true}
        %dma_wait3A_58 = arith.constant 0 : i32
        %dma_wait3A_59 = arith.constant 0 : i32
        %dma_wait3A_60 = tpu.memref_slice %arg16[%dma_wait3A_58, %dma_wait3A_59] : memref<10240x128xf32, #tpu.memory_space<vmem_shared>> -> memref<10240x128xf32, #tpu.memory_space<vmem_shared>>
        tpu.wait_indirect_dma semaphore(%run_scoped3A : memref<!tpu.dma_semaphore, #tpu.memory_space<semaphore_mem>>) src(%arg12 : memref<80x128xf32, #tpu.memory_space<vmem>>) dst(%dma_wait3A_60 : memref<10240x128xf32, #tpu.memory_space<vmem_shared>>)
        tpu.yield
      }) : () -> ()
    }
    %scan3A_17 = arith.constant 125 : i32
    %barrier3A_18 = arith.constant 0 : index
    tpu.barrier barrier_id(%barrier3A_18)
    %scan3A_19 = arith.constant 0 : i32
    %scan3A_20 = arith.constant 8 : i32
    %scan3A_21 = arith.addi %scan3A_19, %scan3A_20 : i32
    %scan3A_22 = arith.constant 1 : i32
    scf.for %scan3A_24 = %scan3A_19 to %scan3A_21 step %scan3A_22  : i32 {
      %mul3A_25 = arith.constant 1 : i32
      %mul3A_26 = arith.muli %scan3A_24, %mul3A_25 : i32
      %add3A_27 = arith.constant 0 : i32
      %add3A_28 = arith.addi %add3A_27, %mul3A_26 : i32
      %mul3A_29 = arith.constant 80 : i32
      %mul3A_30 = arith.muli %add3A_28, %mul3A_29 : i32
      %add3A_31 = arith.addi %mul3A_3, %mul3A_30 : i32
      %scan3A_32 = arith.constant 0 : i32
      %scan3A_33 = arith.constant 5 : i32
      %scan3A_34 = arith.addi %scan3A_32, %scan3A_33 : i32
      %scan3A_35 = arith.constant 1 : i32
      scf.for %scan3A_37 = %scan3A_32 to %scan3A_34 step %scan3A_35  : i32 {
        %mul3A_38 = arith.constant 1 : i32
        %mul3A_39 = arith.muli %scan3A_37, %mul3A_38 : i32
        %add3A_40 = arith.constant 0 : i32
        %add3A_41 = arith.addi %add3A_40, %mul3A_39 : i32
        %mul3A_42 = arith.constant 16 : i32
        %mul3A_43 = arith.muli %add3A_41, %mul3A_42 : i32
        %add3A_44 = arith.addi %add3A_31, %mul3A_43 : i32
        %add3A_45 = vector.broadcast %add3A_44 : i32 to vector<16xi32>
        %add3A_46 = arith.addi %iota3A, %add3A_45 : vector<16xi32>
        %mul3A_47 = arith.constant 16 : i32
        %mul3A_48 = arith.muli %add3A_41, %mul3A_47 : i32
        %swap3A = arith.index_cast %mul3A_48 : i32 to index
        %swap3A_49 = tpu.vector_load %arg9[%swap3A] {strides = array<i32>} : memref<80xi32, #tpu.memory_space<vmem>>, vector<16xi32>,
        %swap3A_50 = vector.shape_cast %swap3A_49 : vector<16xi32> to vector<16xi32>
        %swap3A_51 = vector.shape_cast %add3A_46 : vector<16xi32> to vector<16xi32>
        tpu.vector_store %arg9[%swap3A], %swap3A_51 {strides = array<i32>} : memref<80xi32, #tpu.memory_space<vmem>>, vector<16xi32>,
      }
      %scan3A_36 = arith.constant 5 : i32
      "tpu.region"() ({
        %run_scoped3A = tpu.sem_alloc : memref<!tpu.dma_semaphore, #tpu.memory_space<semaphore_mem>>
        %dma_start3A = arith.constant 0 : i32
        %dma_start3A_37 = arith.constant 0 : i32
        %dma_start3A_38 = tpu.memref_slice %arg16[%dma_start3A, %dma_start3A_37] : memref<10240x128xf32, #tpu.memory_space<vmem_shared>> -> memref<10240x128xf32, #tpu.memory_space<vmem_shared>>
        tpu.enqueue_indirect_dma source(%dma_start3A_38 : memref<10240x128xf32, #tpu.memory_space<vmem_shared>>) target(%arg12 : memref<80x128xf32, #tpu.memory_space<vmem>>) offsets(%arg9 : memref<80xi32, #tpu.memory_space<vmem>>) semaphore(%run_scoped3A : memref<!tpu.dma_semaphore, #tpu.memory_space<semaphore_mem>>)
        %dma_wait3A = arith.constant 0 : i32
        %dma_wait3A_39 = arith.constant 0 : i32
        %dma_wait3A_40 = tpu.memref_slice %arg16[%dma_wait3A, %dma_wait3A_39] : memref<10240x128xf32, #tpu.memory_space<vmem_shared>> -> memref<10240x128xf32, #tpu.memory_space<vmem_shared>>
        tpu.wait_indirect_dma semaphore(%run_scoped3A : memref<!tpu.dma_semaphore, #tpu.memory_space<semaphore_mem>>) src(%dma_wait3A_40 : memref<10240x128xf32, #tpu.memory_space<vmem_shared>>) dst(%arg12 : memref<80x128xf32, #tpu.memory_space<vmem>>)
        tpu.yield
      }) : () -> ()
      "tpu.region"() ({
        %run_scoped3A = tpu.sem_alloc : memref<!tpu.dma_semaphore, #tpu.memory_space<semaphore_mem>>
        %dma_start3A = arith.constant 0 : i32
        %dma_start3A_37 = tpu.memref_slice %arg7[%arg0, %add3A_31, %dma_start3A] : memref<2x10240x128xf32, #tpu.memory_space<hbm>> -> memref<1x80x128xf32, #tpu.memory_space<hbm>>
        %dma_start3A_38 = tpu.memref_squeeze %dma_start3A_37 : memref<1x80x128xf32, #tpu.memory_space<hbm>> -> memref<80x128xf32, #tpu.memory_space<hbm>>
        %dma_start3A_39 = arith.constant 0 : i32
        %dma_start3A_40 = tpu.memref_slice %arg7[%arg0, %add3A_31, %dma_start3A_39] : memref<2x10240x128xf32, #tpu.memory_space<hbm>> -> memref<1x80x128xf32, #tpu.memory_space<hbm>>
        %dma_start3A_41 = tpu.memref_squeeze %dma_start3A_40 : memref<1x80x128xf32, #tpu.memory_space<hbm>> -> memref<80x128xf32, #tpu.memory_space<hbm>>
        tpu.enqueue_dma source(%arg12 : memref<80x128xf32, #tpu.memory_space<vmem>>) target(%dma_start3A_41 : memref<80x128xf32, #tpu.memory_space<hbm>>) target_semaphore(%run_scoped3A : memref<!tpu.dma_semaphore, #tpu.memory_space<semaphore_mem>>)
        %dma_wait3A = arith.constant 0 : i32
        %dma_wait3A_42 = tpu.memref_slice %arg7[%arg0, %add3A_31, %dma_wait3A] : memref<2x10240x128xf32, #tpu.memory_space<hbm>> -> memref<1x80x128xf32, #tpu.memory_space<hbm>>
        %dma_wait3A_43 = tpu.memref_squeeze %dma_wait3A_42 : memref<1x80x128xf32, #tpu.memory_space<hbm>> -> memref<80x128xf32, #tpu.memory_space<hbm>>
        %dma_wait3A_44 = arith.constant 0 : i32
        %dma_wait3A_45 = tpu.memref_slice %arg7[%arg0, %add3A_31, %dma_wait3A_44] : memref<2x10240x128xf32, #tpu.memory_space<hbm>> -> memref<1x80x128xf32, #tpu.memory_space<hbm>>
        %dma_wait3A_46 = tpu.memref_squeeze %dma_wait3A_45 : memref<1x80x128xf32, #tpu.memory_space<hbm>> -> memref<80x128xf32, #tpu.memory_space<hbm>>
        tpu.wait_dma2 semaphore(%run_scoped3A : memref<!tpu.dma_semaphore, #tpu.memory_space<semaphore_mem>>) src(%arg12 : memref<80x128xf32, #tpu.memory_space<vmem>>) dst(%dma_wait3A_46 : memref<80x128xf32, #tpu.memory_space<hbm>>)
        tpu.yield
      }) : () -> ()
    }
    %scan3A_23 = arith.constant 8 : i32
    return
  }
}

#map = affine_map<(d0, d1) -> (0)>
#map1 = affine_map<(d0, d1) -> (0, 0)>
#map2 = affine_map<(d0, d1) -> (0, 0, 0)>
module attributes {stable_mosaic.version = 14 : i64} {
  func.func @_sc_den(%arg0: i32, %arg1: i32, %arg2: memref<320000xi32, #tpu.memory_space<hbm>>, %arg3: memref<320000x16xf32, #tpu.memory_space<hbm>>, %arg4: memref<2x10240x128xf32, #tpu.memory_space<hbm>>, %arg5: memref<80xi32, #tpu.memory_space<vmem>>, %arg6: memref<80x16xf32, #tpu.memory_space<vmem>>, %arg7: memref<80x128xf32, #tpu.memory_space<vmem>>, %arg8: memref<10240x128xf32, #tpu.memory_space<vmem_shared>>) attributes {dimension_semantics = [#tpu.dimension_semantics<core_parallel>, #tpu.dimension_semantics<subcore_parallel>], iteration_bounds = array<i64: 2, 16>, scalar_prefetch = 0 : i64, scratch_operands = 4 : i64, tpu.core_type = #tpu.core_type<sc_vector_subcore>, window_params = [{transform_indices = #map}, {transform_indices = #map1}, {transform_indices = #map2}]} {
    %mul3A = arith.constant 16 : i32
    %mul3A_0 = arith.muli %arg0, %mul3A : i32
    %add3A = arith.addi %mul3A_0, %arg1 : i32
    %broadcast_in_dim3A = arith.constant 0.000000e+00 : f32
    %broadcast_in_dim3A_1 = vector.broadcast %broadcast_in_dim3A : f32 to vector<16xf32>
    %iota3A = tpu.iota {dimensions = array<i32: 0>} : vector<16xi32>
    %mul3A_2 = arith.constant 640 : i32
    %mul3A_3 = arith.muli %arg1, %mul3A_2 : i32
    %scan3A = arith.constant 0 : i32
    %scan3A_4 = arith.constant 80 : i32
    %scan3A_5 = arith.addi %scan3A, %scan3A_4 : i32
    %scan3A_6 = arith.constant 1 : i32
    scf.for %scan3A_24 = %scan3A to %scan3A_5 step %scan3A_6  : i32 {
      %mul3A_25 = arith.constant 1 : i32
      %mul3A_26 = arith.muli %scan3A_24, %mul3A_25 : i32
      %add3A_27 = arith.constant 0 : i32
      %add3A_28 = arith.addi %add3A_27, %mul3A_26 : i32
      %swap3A = arith.index_cast %add3A_28 : i32 to index
      %swap3A_29 = arith.constant 0 : index
      %swap3A_30 = tpu.vector_load %arg7[%swap3A, %swap3A_29] {strides = array<i32>} : memref<80x128xf32, #tpu.memory_space<vmem>>, vector<1x16xf32>,
      %swap3A_31 = vector.shape_cast %swap3A_30 : vector<1x16xf32> to vector<16xf32>
      %swap3A_32 = vector.shape_cast %broadcast_in_dim3A_1 : vector<16xf32> to vector<1x16xf32>
      tpu.vector_store %arg7[%swap3A, %swap3A_29], %swap3A_32 {strides = array<i32>} : memref<80x128xf32, #tpu.memory_space<vmem>>, vector<1x16xf32>,
      %swap3A_33 = arith.index_cast %add3A_28 : i32 to index
      %swap3A_34 = arith.constant 16 : index
      %swap3A_35 = tpu.vector_load %arg7[%swap3A_33, %swap3A_34] {strides = array<i32>} : memref<80x128xf32, #tpu.memory_space<vmem>>, vector<1x16xf32>,
      %swap3A_36 = vector.shape_cast %swap3A_35 : vector<1x16xf32> to vector<16xf32>
      %swap3A_37 = vector.shape_cast %broadcast_in_dim3A_1 : vector<16xf32> to vector<1x16xf32>
      tpu.vector_store %arg7[%swap3A_33, %swap3A_34], %swap3A_37 {strides = array<i32>} : memref<80x128xf32, #tpu.memory_space<vmem>>, vector<1x16xf32>,
      %swap3A_38 = arith.index_cast %add3A_28 : i32 to index
      %swap3A_39 = arith.constant 32 : index
      %swap3A_40 = tpu.vector_load %arg7[%swap3A_38, %swap3A_39] {strides = array<i32>} : memref<80x128xf32, #tpu.memory_space<vmem>>, vector<1x16xf32>,
      %swap3A_41 = vector.shape_cast %swap3A_40 : vector<1x16xf32> to vector<16xf32>
      %swap3A_42 = vector.shape_cast %broadcast_in_dim3A_1 : vector<16xf32> to vector<1x16xf32>
      tpu.vector_store %arg7[%swap3A_38, %swap3A_39], %swap3A_42 {strides = array<i32>} : memref<80x128xf32, #tpu.memory_space<vmem>>, vector<1x16xf32>,
      %swap3A_43 = arith.index_cast %add3A_28 : i32 to index
      %swap3A_44 = arith.constant 48 : index
      %swap3A_45 = tpu.vector_load %arg7[%swap3A_43, %swap3A_44] {strides = array<i32>} : memref<80x128xf32, #tpu.memory_space<vmem>>, vector<1x16xf32>,
      %swap3A_46 = vector.shape_cast %swap3A_45 : vector<1x16xf32> to vector<16xf32>
      %swap3A_47 = vector.shape_cast %broadcast_in_dim3A_1 : vector<16xf32> to vector<1x16xf32>
      tpu.vector_store %arg7[%swap3A_43, %swap3A_44], %swap3A_47 {strides = array<i32>} : memref<80x128xf32, #tpu.memory_space<vmem>>, vector<1x16xf32>,
      %swap3A_48 = arith.index_cast %add3A_28 : i32 to index
      %swap3A_49 = arith.constant 64 : index
      %swap3A_50 = tpu.vector_load %arg7[%swap3A_48, %swap3A_49] {strides = array<i32>} : memref<80x128xf32, #tpu.memory_space<vmem>>, vector<1x16xf32>,
      %swap3A_51 = vector.shape_cast %swap3A_50 : vector<1x16xf32> to vector<16xf32>
      %swap3A_52 = vector.shape_cast %broadcast_in_dim3A_1 : vector<16xf32> to vector<1x16xf32>
      tpu.vector_store %arg7[%swap3A_48, %swap3A_49], %swap3A_52 {strides = array<i32>} : memref<80x128xf32, #tpu.memory_space<vmem>>, vector<1x16xf32>,
      %swap3A_53 = arith.index_cast %add3A_28 : i32 to index
      %swap3A_54 = arith.constant 80 : index
      %swap3A_55 = tpu.vector_load %arg7[%swap3A_53, %swap3A_54] {strides = array<i32>} : memref<80x128xf32, #tpu.memory_space<vmem>>, vector<1x16xf32>,
      %swap3A_56 = vector.shape_cast %swap3A_55 : vector<1x16xf32> to vector<16xf32>
      %swap3A_57 = vector.shape_cast %broadcast_in_dim3A_1 : vector<16xf32> to vector<1x16xf32>
      tpu.vector_store %arg7[%swap3A_53, %swap3A_54], %swap3A_57 {strides = array<i32>} : memref<80x128xf32, #tpu.memory_space<vmem>>, vector<1x16xf32>,
      %swap3A_58 = arith.index_cast %add3A_28 : i32 to index
      %swap3A_59 = arith.constant 96 : index
      %swap3A_60 = tpu.vector_load %arg7[%swap3A_58, %swap3A_59] {strides = array<i32>} : memref<80x128xf32, #tpu.memory_space<vmem>>, vector<1x16xf32>,
      %swap3A_61 = vector.shape_cast %swap3A_60 : vector<1x16xf32> to vector<16xf32>
      %swap3A_62 = vector.shape_cast %broadcast_in_dim3A_1 : vector<16xf32> to vector<1x16xf32>
      tpu.vector_store %arg7[%swap3A_58, %swap3A_59], %swap3A_62 {strides = array<i32>} : memref<80x128xf32, #tpu.memory_space<vmem>>, vector<1x16xf32>,
      %swap3A_63 = arith.index_cast %add3A_28 : i32 to index
      %swap3A_64 = arith.constant 112 : index
      %swap3A_65 = tpu.vector_load %arg7[%swap3A_63, %swap3A_64] {strides = array<i32>} : memref<80x128xf32, #tpu.memory_space<vmem>>, vector<1x16xf32>,
      %swap3A_66 = vector.shape_cast %swap3A_65 : vector<1x16xf32> to vector<16xf32>
      %swap3A_67 = vector.shape_cast %broadcast_in_dim3A_1 : vector<16xf32> to vector<1x16xf32>
      tpu.vector_store %arg7[%swap3A_63, %swap3A_64], %swap3A_67 {strides = array<i32>} : memref<80x128xf32, #tpu.memory_space<vmem>>, vector<1x16xf32>,
    }
    %scan3A_7 = arith.constant 80 : i32
    %scan3A_8 = arith.constant 0 : i32
    %scan3A_9 = arith.constant 8 : i32
    %scan3A_10 = arith.addi %scan3A_8, %scan3A_9 : i32
    %scan3A_11 = arith.constant 1 : i32
    scf.for %scan3A_24 = %scan3A_8 to %scan3A_10 step %scan3A_11  : i32 {
      %mul3A_25 = arith.constant 1 : i32
      %mul3A_26 = arith.muli %scan3A_24, %mul3A_25 : i32
      %add3A_27 = arith.constant 0 : i32
      %add3A_28 = arith.addi %add3A_27, %mul3A_26 : i32
      %mul3A_29 = arith.constant 80 : i32
      %mul3A_30 = arith.muli %add3A_28, %mul3A_29 : i32
      %add3A_31 = arith.addi %mul3A_3, %mul3A_30 : i32
      %scan3A_32 = arith.constant 0 : i32
      %scan3A_33 = arith.constant 5 : i32
      %scan3A_34 = arith.addi %scan3A_32, %scan3A_33 : i32
      %scan3A_35 = arith.constant 1 : i32
      scf.for %scan3A_37 = %scan3A_32 to %scan3A_34 step %scan3A_35  : i32 {
        %mul3A_38 = arith.constant 1 : i32
        %mul3A_39 = arith.muli %scan3A_37, %mul3A_38 : i32
        %add3A_40 = arith.constant 0 : i32
        %add3A_41 = arith.addi %add3A_40, %mul3A_39 : i32
        %mul3A_42 = arith.constant 16 : i32
        %mul3A_43 = arith.muli %add3A_41, %mul3A_42 : i32
        %add3A_44 = arith.addi %add3A_31, %mul3A_43 : i32
        %add3A_45 = vector.broadcast %add3A_44 : i32 to vector<16xi32>
        %add3A_46 = arith.addi %iota3A, %add3A_45 : vector<16xi32>
        %mul3A_47 = arith.constant 16 : i32
        %mul3A_48 = arith.muli %add3A_41, %mul3A_47 : i32
        %swap3A = arith.index_cast %mul3A_48 : i32 to index
        %swap3A_49 = tpu.vector_load %arg5[%swap3A] {strides = array<i32>} : memref<80xi32, #tpu.memory_space<vmem>>, vector<16xi32>,
        %swap3A_50 = vector.shape_cast %swap3A_49 : vector<16xi32> to vector<16xi32>
        %swap3A_51 = vector.shape_cast %add3A_46 : vector<16xi32> to vector<16xi32>
        tpu.vector_store %arg5[%swap3A], %swap3A_51 {strides = array<i32>} : memref<80xi32, #tpu.memory_space<vmem>>, vector<16xi32>,
      }
      %scan3A_36 = arith.constant 5 : i32
      "tpu.region"() ({
        %run_scoped3A = tpu.sem_alloc : memref<!tpu.dma_semaphore, #tpu.memory_space<semaphore_mem>>
        %dma_start3A = arith.constant 0 : i32
        %dma_start3A_37 = arith.constant 0 : i32
        %dma_start3A_38 = tpu.memref_slice %arg8[%dma_start3A, %dma_start3A_37] : memref<10240x128xf32, #tpu.memory_space<vmem_shared>> -> memref<10240x128xf32, #tpu.memory_space<vmem_shared>>
        tpu.enqueue_indirect_dma source(%arg7 : memref<80x128xf32, #tpu.memory_space<vmem>>) target(%dma_start3A_38 : memref<10240x128xf32, #tpu.memory_space<vmem_shared>>) offsets(%arg5 : memref<80xi32, #tpu.memory_space<vmem>>) semaphore(%run_scoped3A : memref<!tpu.dma_semaphore, #tpu.memory_space<semaphore_mem>>)
        %dma_wait3A = arith.constant 0 : i32
        %dma_wait3A_39 = arith.constant 0 : i32
        %dma_wait3A_40 = tpu.memref_slice %arg8[%dma_wait3A, %dma_wait3A_39] : memref<10240x128xf32, #tpu.memory_space<vmem_shared>> -> memref<10240x128xf32, #tpu.memory_space<vmem_shared>>
        tpu.wait_indirect_dma semaphore(%run_scoped3A : memref<!tpu.dma_semaphore, #tpu.memory_space<semaphore_mem>>) src(%arg7 : memref<80x128xf32, #tpu.memory_space<vmem>>) dst(%dma_wait3A_40 : memref<10240x128xf32, #tpu.memory_space<vmem_shared>>)
        tpu.yield
      }) : () -> ()
    }
    %scan3A_12 = arith.constant 8 : i32
    %barrier3A = arith.constant 0 : index
    tpu.barrier barrier_id(%barrier3A)
    %scan3A_13 = arith.constant 0 : i32
    %scan3A_14 = arith.constant 125 : i32
    %scan3A_15 = arith.addi %scan3A_13, %scan3A_14 : i32
    %scan3A_16 = arith.constant 1 : i32
    scf.for %scan3A_24 = %scan3A_13 to %scan3A_15 step %scan3A_16  : i32 {
      %mul3A_25 = arith.constant 1 : i32
      %mul3A_26 = arith.muli %scan3A_24, %mul3A_25 : i32
      %add3A_27 = arith.constant 0 : i32
      %add3A_28 = arith.addi %add3A_27, %mul3A_26 : i32
      %mul3A_29 = arith.constant 10000 : i32
      %mul3A_30 = arith.muli %add3A, %mul3A_29 : i32
      %mul3A_31 = arith.constant 80 : i32
      %mul3A_32 = arith.muli %add3A_28, %mul3A_31 : i32
      %add3A_33 = arith.addi %mul3A_30, %mul3A_32 : i32
      "tpu.region"() ({
        %run_scoped3A = tpu.sem_alloc : memref<!tpu.dma_semaphore, #tpu.memory_space<semaphore_mem>>
        %dma_start3A = tpu.memref_slice %arg2[%add3A_33] : memref<320000xi32, #tpu.memory_space<hbm>> -> memref<80xi32, #tpu.memory_space<hbm>>
        %dma_start3A_39 = tpu.memref_slice %arg2[%add3A_33] : memref<320000xi32, #tpu.memory_space<hbm>> -> memref<80xi32, #tpu.memory_space<hbm>>
        tpu.enqueue_dma source(%dma_start3A_39 : memref<80xi32, #tpu.memory_space<hbm>>) target(%arg5 : memref<80xi32, #tpu.memory_space<vmem>>) target_semaphore(%run_scoped3A : memref<!tpu.dma_semaphore, #tpu.memory_space<semaphore_mem>>)
        %dma_wait3A = tpu.memref_slice %arg2[%add3A_33] : memref<320000xi32, #tpu.memory_space<hbm>> -> memref<80xi32, #tpu.memory_space<hbm>>
        %dma_wait3A_40 = tpu.memref_slice %arg2[%add3A_33] : memref<320000xi32, #tpu.memory_space<hbm>> -> memref<80xi32, #tpu.memory_space<hbm>>
        tpu.wait_dma2 semaphore(%run_scoped3A : memref<!tpu.dma_semaphore, #tpu.memory_space<semaphore_mem>>) src(%dma_wait3A_40 : memref<80xi32, #tpu.memory_space<hbm>>) dst(%arg5 : memref<80xi32, #tpu.memory_space<vmem>>)
        tpu.yield
      }) : () -> ()
      "tpu.region"() ({
        %run_scoped3A = tpu.sem_alloc : memref<!tpu.dma_semaphore, #tpu.memory_space<semaphore_mem>>
        %dma_start3A = arith.constant 0 : i32
        %dma_start3A_39 = tpu.memref_slice %arg3[%add3A_33, %dma_start3A] : memref<320000x16xf32, #tpu.memory_space<hbm>> -> memref<80x16xf32, #tpu.memory_space<hbm>>
        %dma_start3A_40 = arith.constant 0 : i32
        %dma_start3A_41 = tpu.memref_slice %arg3[%add3A_33, %dma_start3A_40] : memref<320000x16xf32, #tpu.memory_space<hbm>> -> memref<80x16xf32, #tpu.memory_space<hbm>>
        tpu.enqueue_dma source(%dma_start3A_41 : memref<80x16xf32, #tpu.memory_space<hbm>>) target(%arg6 : memref<80x16xf32, #tpu.memory_space<vmem>>) target_semaphore(%run_scoped3A : memref<!tpu.dma_semaphore, #tpu.memory_space<semaphore_mem>>)
        %dma_wait3A = arith.constant 0 : i32
        %dma_wait3A_42 = tpu.memref_slice %arg3[%add3A_33, %dma_wait3A] : memref<320000x16xf32, #tpu.memory_space<hbm>> -> memref<80x16xf32, #tpu.memory_space<hbm>>
        %dma_wait3A_43 = arith.constant 0 : i32
        %dma_wait3A_44 = tpu.memref_slice %arg3[%add3A_33, %dma_wait3A_43] : memref<320000x16xf32, #tpu.memory_space<hbm>> -> memref<80x16xf32, #tpu.memory_space<hbm>>
        tpu.wait_dma2 semaphore(%run_scoped3A : memref<!tpu.dma_semaphore, #tpu.memory_space<semaphore_mem>>) src(%dma_wait3A_44 : memref<80x16xf32, #tpu.memory_space<hbm>>) dst(%arg6 : memref<80x16xf32, #tpu.memory_space<vmem>>)
        tpu.yield
      }) : () -> ()
      %scan3A_34 = arith.constant 0 : i32
      %scan3A_35 = arith.constant 80 : i32
      %scan3A_36 = arith.addi %scan3A_34, %scan3A_35 : i32
      %scan3A_37 = arith.constant 1 : i32
      scf.for %scan3A_39 = %scan3A_34 to %scan3A_36 step %scan3A_37  : i32 {
        %mul3A_40 = arith.constant 1 : i32
        %mul3A_41 = arith.muli %scan3A_39, %mul3A_40 : i32
        %add3A_42 = arith.constant 0 : i32
        %add3A_43 = arith.addi %add3A_42, %mul3A_41 : i32
        %get3A = arith.index_cast %add3A_43 : i32 to index
        %get3A_44 = arith.constant 0 : index
        %get3A_45 = tpu.vector_load %arg6[%get3A, %get3A_44] {strides = array<i32>} : memref<80x16xf32, #tpu.memory_space<vmem>>, vector<1x16xf32>,
        %get3A_46 = vector.shape_cast %get3A_45 : vector<1x16xf32> to vector<16xf32>
        %swap3A = arith.index_cast %add3A_43 : i32 to index
        %swap3A_47 = arith.constant 0 : index
        %swap3A_48 = tpu.vector_load %arg7[%swap3A, %swap3A_47] {strides = array<i32>} : memref<80x128xf32, #tpu.memory_space<vmem>>, vector<1x16xf32>,
        %swap3A_49 = vector.shape_cast %swap3A_48 : vector<1x16xf32> to vector<16xf32>
        %swap3A_50 = vector.shape_cast %get3A_46 : vector<16xf32> to vector<1x16xf32>
        tpu.vector_store %arg7[%swap3A, %swap3A_47], %swap3A_50 {strides = array<i32>} : memref<80x128xf32, #tpu.memory_space<vmem>>, vector<1x16xf32>,
      }
      %scan3A_38 = arith.constant 80 : i32
      "tpu.region"() ({
        %run_scoped3A = tpu.sem_alloc : memref<!tpu.dma_semaphore, #tpu.memory_space<semaphore_mem>>
        %dma_start3A = arith.constant 0 : i32
        %dma_start3A_39 = arith.constant 0 : i32
        %dma_start3A_40 = tpu.memref_slice %arg8[%dma_start3A, %dma_start3A_39] : memref<10240x128xf32, #tpu.memory_space<vmem_shared>> -> memref<10240x128xf32, #tpu.memory_space<vmem_shared>>
        tpu.enqueue_indirect_dma source(%arg7 : memref<80x128xf32, #tpu.memory_space<vmem>>) target(%dma_start3A_40 : memref<10240x128xf32, #tpu.memory_space<vmem_shared>>) offsets(%arg5 : memref<80xi32, #tpu.memory_space<vmem>>) semaphore(%run_scoped3A : memref<!tpu.dma_semaphore, #tpu.memory_space<semaphore_mem>>) {add = true}
        %dma_wait3A = arith.constant 0 : i32
        %dma_wait3A_41 = arith.constant 0 : i32
        %dma_wait3A_42 = tpu.memref_slice %arg8[%dma_wait3A, %dma_wait3A_41] : memref<10240x128xf32, #tpu.memory_space<vmem_shared>> -> memref<10240x128xf32, #tpu.memory_space<vmem_shared>>
        tpu.wait_indirect_dma semaphore(%run_scoped3A : memref<!tpu.dma_semaphore, #tpu.memory_space<semaphore_mem>>) src(%arg7 : memref<80x128xf32, #tpu.memory_space<vmem>>) dst(%dma_wait3A_42 : memref<10240x128xf32, #tpu.memory_space<vmem_shared>>)
        tpu.yield
      }) : () -> ()
    }
    %scan3A_17 = arith.constant 125 : i32
    %barrier3A_18 = arith.constant 0 : index
    tpu.barrier barrier_id(%barrier3A_18)
    %scan3A_19 = arith.constant 0 : i32
    %scan3A_20 = arith.constant 8 : i32
    %scan3A_21 = arith.addi %scan3A_19, %scan3A_20 : i32
    %scan3A_22 = arith.constant 1 : i32
    scf.for %scan3A_24 = %scan3A_19 to %scan3A_21 step %scan3A_22  : i32 {
      %mul3A_25 = arith.constant 1 : i32
      %mul3A_26 = arith.muli %scan3A_24, %mul3A_25 : i32
      %add3A_27 = arith.constant 0 : i32
      %add3A_28 = arith.addi %add3A_27, %mul3A_26 : i32
      %mul3A_29 = arith.constant 80 : i32
      %mul3A_30 = arith.muli %add3A_28, %mul3A_29 : i32
      %add3A_31 = arith.addi %mul3A_3, %mul3A_30 : i32
      %scan3A_32 = arith.constant 0 : i32
      %scan3A_33 = arith.constant 5 : i32
      %scan3A_34 = arith.addi %scan3A_32, %scan3A_33 : i32
      %scan3A_35 = arith.constant 1 : i32
      scf.for %scan3A_37 = %scan3A_32 to %scan3A_34 step %scan3A_35  : i32 {
        %mul3A_38 = arith.constant 1 : i32
        %mul3A_39 = arith.muli %scan3A_37, %mul3A_38 : i32
        %add3A_40 = arith.constant 0 : i32
        %add3A_41 = arith.addi %add3A_40, %mul3A_39 : i32
        %mul3A_42 = arith.constant 16 : i32
        %mul3A_43 = arith.muli %add3A_41, %mul3A_42 : i32
        %add3A_44 = arith.addi %add3A_31, %mul3A_43 : i32
        %add3A_45 = vector.broadcast %add3A_44 : i32 to vector<16xi32>
        %add3A_46 = arith.addi %iota3A, %add3A_45 : vector<16xi32>
        %mul3A_47 = arith.constant 16 : i32
        %mul3A_48 = arith.muli %add3A_41, %mul3A_47 : i32
        %swap3A = arith.index_cast %mul3A_48 : i32 to index
        %swap3A_49 = tpu.vector_load %arg5[%swap3A] {strides = array<i32>} : memref<80xi32, #tpu.memory_space<vmem>>, vector<16xi32>,
        %swap3A_50 = vector.shape_cast %swap3A_49 : vector<16xi32> to vector<16xi32>
        %swap3A_51 = vector.shape_cast %add3A_46 : vector<16xi32> to vector<16xi32>
        tpu.vector_store %arg5[%swap3A], %swap3A_51 {strides = array<i32>} : memref<80xi32, #tpu.memory_space<vmem>>, vector<16xi32>,
      }
      %scan3A_36 = arith.constant 5 : i32
      "tpu.region"() ({
        %run_scoped3A = tpu.sem_alloc : memref<!tpu.dma_semaphore, #tpu.memory_space<semaphore_mem>>
        %dma_start3A = arith.constant 0 : i32
        %dma_start3A_37 = arith.constant 0 : i32
        %dma_start3A_38 = tpu.memref_slice %arg8[%dma_start3A, %dma_start3A_37] : memref<10240x128xf32, #tpu.memory_space<vmem_shared>> -> memref<10240x128xf32, #tpu.memory_space<vmem_shared>>
        tpu.enqueue_indirect_dma source(%dma_start3A_38 : memref<10240x128xf32, #tpu.memory_space<vmem_shared>>) target(%arg7 : memref<80x128xf32, #tpu.memory_space<vmem>>) offsets(%arg5 : memref<80xi32, #tpu.memory_space<vmem>>) semaphore(%run_scoped3A : memref<!tpu.dma_semaphore, #tpu.memory_space<semaphore_mem>>)
        %dma_wait3A = arith.constant 0 : i32
        %dma_wait3A_39 = arith.constant 0 : i32
        %dma_wait3A_40 = tpu.memref_slice %arg8[%dma_wait3A, %dma_wait3A_39] : memref<10240x128xf32, #tpu.memory_space<vmem_shared>> -> memref<10240x128xf32, #tpu.memory_space<vmem_shared>>
        tpu.wait_indirect_dma semaphore(%run_scoped3A : memref<!tpu.dma_semaphore, #tpu.memory_space<semaphore_mem>>) src(%dma_wait3A_40 : memref<10240x128xf32, #tpu.memory_space<vmem_shared>>) dst(%arg7 : memref<80x128xf32, #tpu.memory_space<vmem>>)
        tpu.yield
      }) : () -> ()
      "tpu.region"() ({
        %run_scoped3A = tpu.sem_alloc : memref<!tpu.dma_semaphore, #tpu.memory_space<semaphore_mem>>
        %dma_start3A = arith.constant 0 : i32
        %dma_start3A_37 = tpu.memref_slice %arg4[%arg0, %add3A_31, %dma_start3A] : memref<2x10240x128xf32, #tpu.memory_space<hbm>> -> memref<1x80x128xf32, #tpu.memory_space<hbm>>
        %dma_start3A_38 = tpu.memref_squeeze %dma_start3A_37 : memref<1x80x128xf32, #tpu.memory_space<hbm>> -> memref<80x128xf32, #tpu.memory_space<hbm>>
        %dma_start3A_39 = arith.constant 0 : i32
        %dma_start3A_40 = tpu.memref_slice %arg4[%arg0, %add3A_31, %dma_start3A_39] : memref<2x10240x128xf32, #tpu.memory_space<hbm>> -> memref<1x80x128xf32, #tpu.memory_space<hbm>>
        %dma_start3A_41 = tpu.memref_squeeze %dma_start3A_40 : memref<1x80x128xf32, #tpu.memory_space<hbm>> -> memref<80x128xf32, #tpu.memory_space<hbm>>
        tpu.enqueue_dma source(%arg7 : memref<80x128xf32, #tpu.memory_space<vmem>>) target(%dma_start3A_41 : memref<80x128xf32, #tpu.memory_space<hbm>>) target_semaphore(%run_scoped3A : memref<!tpu.dma_semaphore, #tpu.memory_space<semaphore_mem>>)
        %dma_wait3A = arith.constant 0 : i32
        %dma_wait3A_42 = tpu.memref_slice %arg4[%arg0, %add3A_31, %dma_wait3A] : memref<2x10240x128xf32, #tpu.memory_space<hbm>> -> memref<1x80x128xf32, #tpu.memory_space<hbm>>
        %dma_wait3A_43 = tpu.memref_squeeze %dma_wait3A_42 : memref<1x80x128xf32, #tpu.memory_space<hbm>> -> memref<80x128xf32, #tpu.memory_space<hbm>>
        %dma_wait3A_44 = arith.constant 0 : i32
        %dma_wait3A_45 = tpu.memref_slice %arg4[%arg0, %add3A_31, %dma_wait3A_44] : memref<2x10240x128xf32, #tpu.memory_space<hbm>> -> memref<1x80x128xf32, #tpu.memory_space<hbm>>
        %dma_wait3A_46 = tpu.memref_squeeze %dma_wait3A_45 : memref<1x80x128xf32, #tpu.memory_space<hbm>> -> memref<80x128xf32, #tpu.memory_space<hbm>>
        tpu.wait_dma2 semaphore(%run_scoped3A : memref<!tpu.dma_semaphore, #tpu.memory_space<semaphore_mem>>) src(%arg7 : memref<80x128xf32, #tpu.memory_space<vmem>>) dst(%dma_wait3A_46 : memref<80x128xf32, #tpu.memory_space<hbm>>)
        tpu.yield
      }) : () -> ()
    }
    %scan3A_23 = arith.constant 8 : i32
    return
  }
}

module attributes {stable_mosaic.version = 14 : i64} {
  func.func @_tc_pre(%arg0: i32, %arg1: memref<1000x128xf32, #tpu.memory_space<vmem>>, %arg2: memref<128x128xf32, #tpu.memory_space<vmem>>, %arg3: memref<1x128xf32, #tpu.memory_space<vmem>>, %arg4: memref<128x128xf32, #tpu.memory_space<vmem>>, %arg5: memref<1x128xf32, #tpu.memory_space<vmem>>, %arg6: memref<1000x128xf32, #tpu.memory_space<vmem>>, %arg7: memref<1000x128xf32, #tpu.memory_space<vmem>>, %arg8: memref<1x128xf32, #tpu.memory_space<vmem>>) attributes {dimension_semantics = [#tpu.dimension_semantics<arbitrary>], iteration_bounds = array<i64: 10>, scalar_prefetch = 0 : i64, scratch_operands = 0 : i64, tpu.core_type = #tpu.core_type<tc>, window_params = [{transform_indices = @transform_0, window_bounds = array<i64: 1000, 128>}, {pipeline_mode = #tpu.pipeline_mode<synchronous>, transform_indices = @transform_1, window_bounds = array<i64: 128, 128>}, {pipeline_mode = #tpu.pipeline_mode<synchronous>, transform_indices = @transform_2, window_bounds = array<i64: 1, 128>}, {pipeline_mode = #tpu.pipeline_mode<synchronous>, transform_indices = @transform_3, window_bounds = array<i64: 128, 128>}, {pipeline_mode = #tpu.pipeline_mode<synchronous>, transform_indices = @transform_4, window_bounds = array<i64: 1, 128>}, {transform_indices = @transform_5, window_bounds = array<i64: 1000, 128>}, {transform_indices = @transform_6, window_bounds = array<i64: 1000, 128>}, {pipeline_mode = #tpu.pipeline_mode<synchronous>, transform_indices = @transform_7, window_bounds = array<i64: 1, 128>}]} {
    %get3A = arith.constant 0 : index
    %get3A_0 = arith.constant 0 : index
    %get3A_1 = vector.load %arg1[%get3A, %get3A_0] : memref<1000x128xf32, #tpu.memory_space<vmem>>, vector<1000x128xf32>
    %get3A_2 = arith.constant 0 : index
    %get3A_3 = arith.constant 0 : index
    %get3A_4 = vector.load %arg2[%get3A_2, %get3A_3] : memref<128x128xf32, #tpu.memory_space<vmem>>, vector<128x128xf32>
    %dot_general3A = arith.constant dense<0.000000e+00> : vector<1000x128xf32>
    %dot_general3A_5 = tpu.matmul %get3A_1, %get3A_4, %dot_general3A {dimension_numbers = #tpu.dot_dimension_numbers<[1], [0], [0], [1], [0, 0, 1, 1], [], []>, transpose_lhs_hint = false} : vector<1000x128xf32>, vector<128x128xf32>, vector<1000x128xf32> -> vector<1000x128xf32>
    %get3A_6 = arith.constant 0 : index
    %get3A_7 = arith.constant 0 : index
    %get3A_8 = vector.load %arg3[%get3A_6, %get3A_7] : memref<1x128xf32, #tpu.memory_space<vmem>>, vector<1x128xf32>
    %add3A = vector.broadcast %get3A_8 : vector<1x128xf32> to vector<1000x128xf32>
    %add3A_9 = arith.addf %dot_general3A_5, %add3A : vector<1000x128xf32>
    %swap3A = arith.constant 0 : index
    %swap3A_10 = arith.constant 0 : index
    %swap3A_11 = vector.load %arg6[%swap3A, %swap3A_10] : memref<1000x128xf32, #tpu.memory_space<vmem>>, vector<1000x128xf32>
    tpu.vector_store %arg6[%swap3A, %swap3A_10], %add3A_9 {strides = array<i32>} : memref<1000x128xf32, #tpu.memory_space<vmem>>, vector<1000x128xf32>,
    %get3A_12 = arith.constant 0 : index
    %get3A_13 = arith.constant 0 : index
    %get3A_14 = vector.load %arg4[%get3A_12, %get3A_13] : memref<128x128xf32, #tpu.memory_space<vmem>>, vector<128x128xf32>
    %dot_general3A_15 = arith.constant dense<0.000000e+00> : vector<1000x128xf32>
    %dot_general3A_16 = tpu.matmul %add3A_9, %get3A_14, %dot_general3A_15 {dimension_numbers = #tpu.dot_dimension_numbers<[1], [0], [0], [1], [0, 0, 1, 1], [], []>, transpose_lhs_hint = false} : vector<1000x128xf32>, vector<128x128xf32>, vector<1000x128xf32> -> vector<1000x128xf32>
    %get3A_17 = arith.constant 0 : index
    %get3A_18 = arith.constant 0 : index
    %get3A_19 = vector.load %arg5[%get3A_17, %get3A_18] : memref<1x128xf32, #tpu.memory_space<vmem>>, vector<1x128xf32>
    %add3A_20 = vector.broadcast %get3A_19 : vector<1x128xf32> to vector<1000x128xf32>
    %add3A_21 = arith.addf %dot_general3A_16, %add3A_20 : vector<1000x128xf32>
    %swap3A_22 = arith.constant 0 : index
    %swap3A_23 = arith.constant 0 : index
    %swap3A_24 = vector.load %arg7[%swap3A_22, %swap3A_23] : memref<1000x128xf32, #tpu.memory_space<vmem>>, vector<1000x128xf32>
    tpu.vector_store %arg7[%swap3A_22, %swap3A_23], %add3A_21 {strides = array<i32>} : memref<1000x128xf32, #tpu.memory_space<vmem>>, vector<1000x128xf32>,
    %reduce_max3A = arith.constant dense<0xFF800000> : vector<128xf32>
    %reduce_max3A_25 = vector.multi_reduction <maximumf>, %add3A_21, %reduce_max3A [0] : vector<1000x128xf32> to vector<128xf32>
    %broadcast_in_dim3A = vector.shape_cast %reduce_max3A_25 : vector<128xf32> to vector<1x128xf32>
    %eq3A = arith.constant 0 : i32
    %eq3A_26 = arith.cmpi eq, %arg0, %eq3A : i32
    %convert_element_type3A = arith.extui %eq3A_26 : i1 to i32
    %cond3A = arith.constant 0 : i32
    %cond3A_27 = arith.cmpi ne, %convert_element_type3A, %cond3A : i32
    scf.if %cond3A_27 {
      %swap3A_32 = arith.constant 0 : index
      %swap3A_33 = arith.constant 0 : index
      %swap3A_34 = vector.load %arg8[%swap3A_32, %swap3A_33] : memref<1x128xf32, #tpu.memory_space<vmem>>, vector<1x128xf32>
      tpu.vector_store %arg8[%swap3A_32, %swap3A_33], %broadcast_in_dim3A {strides = array<i32>} : memref<1x128xf32, #tpu.memory_space<vmem>>, vector<1x128xf32>,
    } else {
    }
    %ne3A = arith.constant 0 : i32
    %ne3A_28 = arith.cmpi ne, %arg0, %ne3A : i32
    %convert_element_type3A_29 = arith.extui %ne3A_28 : i1 to i32
    %cond3A_30 = arith.constant 0 : i32
    %cond3A_31 = arith.cmpi ne, %convert_element_type3A_29, %cond3A_30 : i32
    scf.if %cond3A_31 {
      %get3A_32 = arith.constant 0 : index
      %get3A_33 = arith.constant 0 : index
      %get3A_34 = vector.load %arg8[%get3A_32, %get3A_33] : memref<1x128xf32, #tpu.memory_space<vmem>>, vector<1x128xf32>
      %max3A = arith.maximumf %get3A_34, %broadcast_in_dim3A : vector<1x128xf32>
      %swap3A_35 = arith.constant 0 : index
      %swap3A_36 = arith.constant 0 : index
      %swap3A_37 = vector.load %arg8[%swap3A_35, %swap3A_36] : memref<1x128xf32, #tpu.memory_space<vmem>>, vector<1x128xf32>
      tpu.vector_store %arg8[%swap3A_35, %swap3A_36], %max3A {strides = array<i32>} : memref<1x128xf32, #tpu.memory_space<vmem>>, vector<1x128xf32>,
    } else {
    }
    return
  }
  func.func @transform_0(%arg0: i32) -> (i32, i32) {
    %c0_i32 = arith.constant 0 : i32
    %c0_i32_0 = arith.constant 0 : i32
    return %arg0, %c0_i32 : i32, i32
  }
  func.func @transform_1(%arg0: i32) -> (i32, i32) {
    %c0_i32 = arith.constant 0 : i32
    %c0_i32_0 = arith.constant 0 : i32
    %c0_i32_1 = arith.constant 0 : i32
    return %c0_i32, %c0_i32_0 : i32, i32
  }
  func.func @transform_2(%arg0: i32) -> (i32, i32) {
    %c0_i32 = arith.constant 0 : i32
    %c0_i32_0 = arith.constant 0 : i32
    %c0_i32_1 = arith.constant 0 : i32
    return %c0_i32, %c0_i32_0 : i32, i32
  }
  func.func @transform_3(%arg0: i32) -> (i32, i32) {
    %c0_i32 = arith.constant 0 : i32
    %c0_i32_0 = arith.constant 0 : i32
    %c0_i32_1 = arith.constant 0 : i32
    return %c0_i32, %c0_i32_0 : i32, i32
  }
  func.func @transform_4(%arg0: i32) -> (i32, i32) {
    %c0_i32 = arith.constant 0 : i32
    %c0_i32_0 = arith.constant 0 : i32
    %c0_i32_1 = arith.constant 0 : i32
    return %c0_i32, %c0_i32_0 : i32, i32
  }
  func.func @transform_5(%arg0: i32) -> (i32, i32) {
    %c0_i32 = arith.constant 0 : i32
    %c0_i32_0 = arith.constant 0 : i32
    return %arg0, %c0_i32 : i32, i32
  }
  func.func @transform_6(%arg0: i32) -> (i32, i32) {
    %c0_i32 = arith.constant 0 : i32
    %c0_i32_0 = arith.constant 0 : i32
    return %arg0, %c0_i32 : i32, i32
  }
  func.func @transform_7(%arg0: i32) -> (i32, i32) {
    %c0_i32 = arith.constant 0 : i32
    %c0_i32_0 = arith.constant 0 : i32
    %c0_i32_1 = arith.constant 0 : i32
    return %c0_i32, %c0_i32_0 : i32, i32
  }
}

module attributes {stable_mosaic.version = 14 : i64} {
  func.func @_tc_post(%arg0: i32, %arg1: memref<1000x128xf32, #tpu.memory_space<vmem>>, %arg2: memref<1000x128xf32, #tpu.memory_space<vmem>>, %arg3: memref<1000x16xf32, #tpu.memory_space<vmem>>, %arg4: memref<1000x16xf32, #tpu.memory_space<vmem>>, %arg5: memref<16x128xf32, #tpu.memory_space<vmem>>, %arg6: memref<1000x128xf32, #tpu.memory_space<vmem>>) attributes {dimension_semantics = [#tpu.dimension_semantics<arbitrary>], iteration_bounds = array<i64: 10>, scalar_prefetch = 0 : i64, scratch_operands = 0 : i64, tpu.core_type = #tpu.core_type<tc>, window_params = [{transform_indices = @transform_0, window_bounds = array<i64: 1000, 128>}, {transform_indices = @transform_1, window_bounds = array<i64: 1000, 128>}, {transform_indices = @transform_2, window_bounds = array<i64: 1000, 16>}, {transform_indices = @transform_3, window_bounds = array<i64: 1000, 16>}, {pipeline_mode = #tpu.pipeline_mode<synchronous>, transform_indices = @transform_4, window_bounds = array<i64: 16, 128>}, {transform_indices = @transform_5, window_bounds = array<i64: 1000, 128>}]} {
    %get3A = arith.constant 0 : index
    %get3A_0 = arith.constant 0 : index
    %get3A_1 = vector.load %arg3[%get3A, %get3A_0] : memref<1000x16xf32, #tpu.memory_space<vmem>>, vector<1000x16xf32>
    %get3A_2 = arith.constant 0 : index
    %get3A_3 = arith.constant 0 : index
    %get3A_4 = vector.load %arg4[%get3A_2, %get3A_3] : memref<1000x16xf32, #tpu.memory_space<vmem>>, vector<1000x16xf32>
    %add3A = arith.addf %get3A_1, %get3A_4 : vector<1000x16xf32>
    %get3A_5 = arith.constant 0 : index
    %get3A_6 = arith.constant 0 : index
    %get3A_7 = vector.load %arg5[%get3A_5, %get3A_6] : memref<16x128xf32, #tpu.memory_space<vmem>>, vector<16x128xf32>
    %dot_general3A = arith.constant dense<0.000000e+00> : vector<1000x128xf32>
    %dot_general3A_8 = tpu.matmul %add3A, %get3A_7, %dot_general3A {dimension_numbers = #tpu.dot_dimension_numbers<[1], [0], [0], [1], [0, 0, 1, 1], [], []>, transpose_lhs_hint = false} : vector<1000x16xf32>, vector<16x128xf32>, vector<1000x128xf32> -> vector<1000x128xf32>
    %get3A_9 = arith.constant 0 : index
    %get3A_10 = arith.constant 0 : index
    %get3A_11 = vector.load %arg1[%get3A_9, %get3A_10] : memref<1000x128xf32, #tpu.memory_space<vmem>>, vector<1000x128xf32>
    %get3A_12 = arith.constant 0 : index
    %get3A_13 = arith.constant 0 : index
    %get3A_14 = vector.load %arg2[%get3A_12, %get3A_13] : memref<1000x128xf32, #tpu.memory_space<vmem>>, vector<1000x128xf32>
    %add3A_15 = arith.addf %get3A_11, %get3A_14 : vector<1000x128xf32>
    %max3A = arith.constant 1.000000e-30 : f32
    %max3A_16 = vector.broadcast %max3A : f32 to vector<1000x128xf32>
    %max3A_17 = arith.maximumf %dot_general3A_8, %max3A_16 : vector<1000x128xf32>
    %div3A = arith.divf %add3A_15, %max3A_17 : vector<1000x128xf32>
    %swap3A = arith.constant 0 : index
    %swap3A_18 = arith.constant 0 : index
    %swap3A_19 = vector.load %arg6[%swap3A, %swap3A_18] : memref<1000x128xf32, #tpu.memory_space<vmem>>, vector<1000x128xf32>
    tpu.vector_store %arg6[%swap3A, %swap3A_18], %div3A {strides = array<i32>} : memref<1000x128xf32, #tpu.memory_space<vmem>>, vector<1000x128xf32>,
    return
  }
  func.func @transform_0(%arg0: i32) -> (i32, i32) {
    %c0_i32 = arith.constant 0 : i32
    %c0_i32_0 = arith.constant 0 : i32
    return %arg0, %c0_i32 : i32, i32
  }
  func.func @transform_1(%arg0: i32) -> (i32, i32) {
    %c0_i32 = arith.constant 0 : i32
    %c0_i32_0 = arith.constant 0 : i32
    return %arg0, %c0_i32 : i32, i32
  }
  func.func @transform_2(%arg0: i32) -> (i32, i32) {
    %c0_i32 = arith.constant 0 : i32
    %c0_i32_0 = arith.constant 0 : i32
    return %arg0, %c0_i32 : i32, i32
  }
  func.func @transform_3(%arg0: i32) -> (i32, i32) {
    %c0_i32 = arith.constant 0 : i32
    %c0_i32_0 = arith.constant 0 : i32
    return %arg0, %c0_i32 : i32, i32
  }
  func.func @transform_4(%arg0: i32) -> (i32, i32) {
    %c0_i32 = arith.constant 0 : i32
    %c0_i32_0 = arith.constant 0 : i32
    %c0_i32_1 = arith.constant 0 : i32
    return %c0_i32, %c0_i32_0 : i32, i32
  }
  func.func @transform_5(%arg0: i32) -> (i32, i32) {
    %c0_i32 = arith.constant 0 : i32
    %c0_i32_0 = arith.constant 0 : i32
    return %arg0, %c0_i32 : i32, i32
  }
}

</mosaic_0001>

<sc_bundles>
// kernel: kernel.6.cloned.1.call-start
scs
__scs_entry_jumppad:
0x0: {  	(pc) =	sbr.rel $0x88, $3  }
0x1: {  	(tag) =	ssettag $0x0;
	lr =	simm.s32 $0x1  }
0x2: {  	[smem:$0x3F9B] =	sst lr;
	_ =	strace $0xD0000000  }
0x3: {  	_ = 	snop  }
0x4: {  	_ = 	snop  }
0x5: {  	_ = 	snop  }
0x6: {  	_ = 	snop  }
0x7: {  	_ = 	snop  }
__scs_overlays_trampoline_lowered:
0x8: {  	[smem:$0x3FAA] =	sst s0  }
0x9: {  	[smem:$0x3FAB] =	sst s1  }
0xa: {  	[smem:$0x3FAC] =	sst s2  }
0xb: {  	[smem:$0x3FAD] =	sst s3  }
0xc: {  	[smem:$0x3FAE] =	sst s4  }
0xd: {  	[smem:$0x3FAF] =	sst s5  }
0xe: {  	[smem:$0x3FB0] =	sst s6  }
0xf: {  	[smem:$0x3FB1] =	sst s7  }
0x10: {  	[smem:$0x3FB2] =	sst s8  }
0x11: {  	[smem:$0x3FB3] =	sst s9;
	s0 =	simm.s32 @!p0 $0x0  }
0x12: {  	s1 =	sld [smem:$0x3F99];
	s0 =	simm.s32 @p0 $0x1  }
0x13: {  	[smem:$0x3FB4] =	sst s0;
	s0 =	simm.s32 @!p1 $0x0  }
0x14: {  	s2 =	sld [smem:$0x3F98];
	s0 =	simm.s32 @p1 $0x1  }
0x15: {  	[smem:$0x3FB5] =	sst s0;
	s0 =	simm.s32 @!p2 $0x0  }
0x16: {  	s3 =	sld [smem:$0x3FDB];
	s0 =	simm.s32 @p2 $0x1  }
0x17: {  	s4 =	simm.s32 $0x1BF5;
	[smem:$0x3FB7] =	sst s0  }
0x18: {  	s0 =	sld [smem:$0x3F9A];
	_ =	swait.ge [sflag:s4], $0x0  }
0x19: {  	s7 =	sld [smem:$0x3F9B]  }
0x1a: {  	s8 =	sadd.s32 $0xFFFFE003, lr  }
0x1b: {  	s9 =	sadd.s32 $0xFFFFFEF7, lr;
	s5 =	simm.s32 $0xFFFFFFFF;
	p2 =	slt.u32 s8, $0xFFFFF086  }
0x1c: {  	p1 =	slt.u32 s9, $0xF7A;
	s5 =	simm.s32 @!p2 $0x0  }
0x1d: {  	s5 =	simm.s32 @p1 $0x1;
	p0 =	seq.s32 s7, s2  }
0x1e: {  	s7 =	smul.u32 @!p0 $0xF7A, s2;
	p2 =	seq.s32 @!p0 s5, $0x0  }
0x1f: {  	s9 =	smul.u32 $0xF7A, s1;
	s8 =	simm.s32 @!p0 $0x1BF5;
	p2 =	por !p2, p0  }
0x20: {  	[sflag:s8] =	ssyncset.s32 @!p0 $0xFFFFF086;
	s6 =	sadd.s32 @!p0 s3, s7;
	s7 =	simm.s32 @!p0 $0x108  }
0x21: {  	s3 =	sadd.s32 s3, s9;
	s6 =	sadd.s32 @!p0 $0x88, s6;
	s7 =	simm.s32 @p2 $0x1082  }
0x22: {  	[simem:s7], [sflag:s8] =	dma.local @!p0 [hbm:s6], $0xF7A  }
0x23: {  	s9 =	sor.u32 $0xD0000000, s2;
	s6 =	simm.s32 $0x108;
	_ =	swait.ge @!p0 [sflag:s8], $0x0  }
0x24: {  	s3 =	sadd.s32 $0x88, s3;
	s6 =	simm.s32 @!p1 $0x1082;
	[sflag:s4] =	ssyncset.s32 $0xFFFFF086  }
0x25: {  	[simem:s6], [sflag:s4] =	dma.local [hbm:s3], $0xF7A  }
0x26: {  	[smem:$0x3F9B] =	sst s1;
	(tag) =	ssettag s2;
	_ =	strace s9  }
0x27: {  	s1 =	sld [smem:$0x3FAB]  }
0x28: {  	s2 =	sld [smem:$0x3FAC]  }
0x29: {  	s4 =	sld [smem:$0x3FAE]  }
0x2a: {  	p0 =	seq.s32 s5, $0x0;
	s5 =	sld [smem:$0x3FAF]  }
0x2b: {  	s6 =	sld [smem:$0x3FB0]  }
0x2c: {  	s7 =	sld [smem:$0x3FB1]  }
0x2d: {  	s3 =	simm.s32 $0x108;
	s8 =	sld [smem:$0x3FB2]  }
0x2e: {  	s3 =	simm.s32 @!p0 $0x1082;
	s9 =	sld [smem:$0x3FB3]  }
0x2f: {  	lr =	sadd.s32 s0, s3;
	s0 =	sld [smem:$0x3FAA]  }
0x30: {  	s3 =	sld [smem:$0x3FAD]  }
0x31: {  	[smem:$0x3FB6] =	sst s10  }
0x32: {  	s10 =	sld [smem:$0x3FB4];
	_ =	sdelay $0x3  }
0x33: {  	p0 =	seq.s32 s10, $0x1;
	s10 =	sld [smem:$0x3FB6];
	_ =	sdelay $0x3  }
0x34: {  	[smem:$0x3FB6] =	sst s10  }
0x35: {  	s10 =	sld [smem:$0x3FB5];
	_ =	sdelay $0x3  }
0x36: {  	p1 =	seq.s32 s10, $0x1;
	s10 =	sld [smem:$0x3FB6];
	_ =	sdelay $0x3  }
0x37: {  	[smem:$0x3FB6] =	sst s10  }
0x38: {  	s10 =	sld [smem:$0x3FB7]  }
0x39: {  	_ = 	snop;
	(pc) =	sbr.ind lr, $3  }
0x3a: {  	_ = 	snop  }
0x3b: {  	_ = 	snop  }
0x3c: {  	p2 =	seq.s32 s10, $0x1;
	s10 =	sld [smem:$0x3FB6]  }
0x3d: {  	_ =	shalt  }
0x3e: {  	_ =	shalt  }
0x3f: {  	_ =	shalt  }
0x40: {  	_ =	shalt  }
0x41: {  	_ =	shalt  }
0x42: {  	_ =	shalt  }
0x43: {  	_ =	shalt  }
0x44: {  	_ =	shalt  }
0x45: {  	_ =	shalt  }
0x46: {  	_ =	shalt  }
0x47: {  	_ =	shalt  }
0x48: {  	_ =	shalt  }
0x49: {  	_ =	shalt  }
0x4a: {  	_ =	shalt  }
0x4b: {  	_ =	shalt  }
0x4c: {  	_ =	shalt  }
0x4d: {  	_ =	shalt  }
0x4e: {  	_ =	shalt  }
0x4f: {  	_ =	shalt  }
0x50: {  	_ =	shalt  }
0x51: {  	_ =	shalt  }
0x52: {  	_ =	shalt  }
0x53: {  	_ =	shalt  }
0x54: {  	_ =	shalt  }
0x55: {  	_ =	shalt  }
0x56: {  	_ =	shalt  }
0x57: {  	_ =	shalt  }
0x58: {  	_ =	shalt  }
0x59: {  	_ =	shalt  }
0x5a: {  	_ =	shalt  }
0x5b: {  	_ =	shalt  }
0x5c: {  	_ =	shalt  }
0x5d: {  	_ =	shalt  }
0x5e: {  	_ =	shalt  }
0x5f: {  	_ =	shalt  }
0x60: {  	_ =	shalt  }
0x61: {  	_ =	shalt  }
0x62: {  	_ =	shalt  }
0x63: {  	_ =	shalt  }
0x64: {  	_ =	shalt  }
0x65: {  	_ =	shalt  }
0x66: {  	_ =	shalt  }
0x67: {  	_ =	shalt  }
0x68: {  	_ =	shalt  }
0x69: {  	_ =	shalt  }
0x6a: {  	_ =	shalt  }
0x6b: {  	_ =	shalt  }
0x6c: {  	_ =	shalt  }
0x6d: {  	_ =	shalt  }
0x6e: {  	_ =	shalt  }
0x6f: {  	_ =	shalt  }
0x70: {  	_ =	shalt  }
0x71: {  	_ =	shalt  }
0x72: {  	_ =	shalt  }
0x73: {  	_ =	shalt  }
0x74: {  	_ =	shalt  }
0x75: {  	_ =	shalt  }
0x76: {  	_ =	shalt  }
0x77: {  	_ =	shalt  }
0x78: {  	_ =	shalt  }
0x79: {  	_ =	shalt  }
0x7a: {  	_ =	shalt  }
0x7b: {  	_ =	shalt  }
0x7c: {  	_ =	shalt  }
0x7d: {  	_ =	shalt  }
0x7e: {  	_ =	shalt  }
0x7f: {  	_ =	shalt  }
0x80: {  	_ =	shalt  }
0x81: {  	_ =	shalt  }
0x82: {  	_ =	shalt  }
0x83: {  	_ =	shalt  }
0x84: {  	_ =	shalt  }
0x85: {  	_ =	shalt  }
0x86: {  	_ =	shalt  }
0x87: {  	_ =	shalt  }
.Lfunc_end0:
.L_simem_size_0:
called_computation_lowered:
.L_overlay_start_0:
0x88: {  	s2 =	sld [smem:$0x3FD9]  }
0x89: {  	s3 =	sld [smem:$0x3FFE];
	_ =	sdelay $0x1  }
0x8a: {  	s1 =	srdreg.scid  }
0x8b: {  	s0 =	sand.u32 $0x1, s1  }
0x8c: {  	s17 =	sshll.u32 s0, $0xA;
	s2 =	sadd.s32 s3, s2  }
0x8d: {  	s2 =	sadd.s32 s2, s17  }
0x8e: {  	[smem:$0x3FC2] =	sst s2  }
0x8f: {  	_ = 	snop  }
0x90: {  	s2 =	sld [smem:$0x3FD0];
	(tm) =	ssettm $0x1  }
0x91: {  	s18 =	sld [smem:$0x3FFB];
	_ =	sdelay $0x3  }
0x92: {  	_ =	strace s18  }
0x93: {  	s3 =	sld [smem:$0x3FFC];
	_ =	sdelay $0x3  }
0x94: {  	_ =	strace s3  }
0x95: {  	s3 =	sld [smem:$0x3FFD];
	_ =	sdelay $0x3  }
0x96: {  	_ =	strace s3  }
0x97: {  	_ =	strace $0x8FFFFFFF  }
0x98: {  	s19 =	sld [smem:$0x3FDB];
	_ =	sdelay $0x1  }
0x99: {  	s4 =	simm.s32 $_scs_section_size  }
0x9a: {  	s5 =	simm.s32 $_size__tile_overlayer_lowered;
	s6 =	simm.s32 $_tile_overlayer_lowered  }
0x9b: {  	s22 =	simm.s32 $0x1BFF;
	s21 =	sshll.u32 s6, $0x1;
	s3 =	sadd.s32 s4, s19  }
0x9c: {  	s7 =	simm.s32 $0x0;
	s20 =	sshll.u32 s5, $0x1;
	s5 =	sadd.s32 s21, s3  }
0x9d: {  	[timem:s7], [sflag:s22] =	dma.local [hbm:s5], s20  }
0x9e: {  	_ =	swait.ge [sflag:s22], s20  }
0x9f: {  	s4 =	ssub.s32 $0x0, s20;
	[sflag:s22] =	ssyncset.done $0x0  }
0xa0: {  	[sflag:s22] =	ssyncadd.s32 s4;
	_ =	sdelay $0x1  }
0xa1: {  	s23 =	simm.s32 $0x1B8B  }
0xa2: {  	_ =	swait.ge [sflag:s23], $0x1  }
0xa3: {  	[sflag:s23] =	ssyncset.done $0x0  }
0xa4: {  	s25 =	simm.s32 $0x1B8E;
	s24 =	sld [smem:$0x3FFE];
	[sflag:s23] =	ssyncadd.s32 $0xFFFFFFFF  }
0xa5: {  	s26 =	simm.s32 $execute0_lowered;
	[smem:$0x3FD2] =	sst s25  }
0xa6: {  	s5 =	sshll.u32 s26, $0x1;
	_ =	strace $0x80000046;
	[dreg:$0x1] =	wrdreg $0xFFFFFFFF  }
0xa7: {  	s28 =	simm.s32 $_size_execute0_lowered;
	s3 =	sadd.s32 s3, s5;
	[dreg:$0x0] =	wrdreg $0x0  }
0xa8: {  	s5 =	sshll.u32 s28, $0x1;
	[dreg:$0x2] =	wrdreg s3  }
0xa9: {  	[dreg:$0x3] =	wrdreg s5  }
0xaa: {  	[dreg:$0x4] =	wrdreg $0xC0  }
0xab: {  	_ =	task [dreg:s7], $0x5FFFF  }
0xac: {  	[dreg:$0x1] =	wrdreg $0xFFFFFFFF  }
0xad: {  	[dreg:$0x0] =	wrdreg $0x60  }
0xae: {  	[dreg:$0x2] =	wrdreg s24  }
0xaf: {  	[dreg:$0x3] =	wrdreg s2  }
0xb0: {  	[dreg:$0x4] =	wrdreg $0x79800  }
0xb1: {  	[dreg:$0x5] =	wrdreg $0x9  }
0xb2: {  	_ =	task.clear_ibuf [dreg:s7], $0x6FFFF;
	_ =	strace $0x90000046  }
0xb3: {  	s29 =	simm.s32 $0x9;
	_ =	strace $0x80000048  }
0xb4: {  	_ =	swait.ge [sflag:s29], $0x1  }
0xb5: {  	[sflag:s29] =	ssyncadd.s32 $0xFFFFFFFF  }
0xb6: {  	_ =	strace $0x90000048  }
0xb7: {  	_ =	sfence  }
0xb8: {  	s30 =	sld [smem:$0x0];
	_ =	sdelay $0x2  }
0xb9: {  	s31 =	sshll.u32 s1, $0xD;
	s1 =	sshrl.u32 s1, $0x2  }
0xba: {  	s3 =	sand.u32 $0x4000, s31;
	s1 =	sadd.s32 s1, s30  }
0xbb: {  	s0 =	sor.u32 s3, s0;
	s1 =	sshll.u32 s1, $0x11  }
0xbc: {  	s0 =	sor.u32 s1, s0  }
0xbd: {  	s0 =	sadd.s32 $0x8F2B, s0  }
0xbe: {  	[sflag:s0] =	ssyncadd.remote.s32 $0x1  }
0xbf: {  	_ =	sfence.sel $0xFFFF  }
0xc0: {  	[dreg:$0x0] =	wrdreg $0xFFFFFFFF;
	(pc) =	sbr.abs _section_cstart, $3  }
0xc1: {  	[dreg:$0x1] =	wrdreg $0xFFFFFFFF  }
0xc2: {  	_ =	task.clear_ibuf [dreg:s7], $0x2FFFF;
	_ =	strace $0x9FFFFFFF  }
0xc3: {  	(tm) =	ssettm $0x7FFFFFFF  }
tec
execute0_lowered:
.L_overlay_start_1:
0x0: {  	(tag) =	ssettag $0x1  }
0x1: {  	s9 =	rddreg [dreg:$0x0]  }
0x2: {  	s2 =	rddreg [dreg:$0x1];
	s0 =	srdreg.scid  }
0x3: {  	s3 =	rddreg [dreg:$0x2];
	s1 =	stileid.u32  }
0x4: {  	s4 =	simm.s32 $0x0;
	s14 =	simm.s32 $0x7900;
	s15 =	simm.s32 $0x2  }
0x5: {  	s16 =	simm.s32 $0x50;
	s17 =	simm.s32 $0x2900;
	s18 =	simm.s32 $0x80  }
0x6: {  	s19 =	simm.s32 $0x100;
	s20 =	simm.s32 $0x1;
	s21 =	simm.s32 $0x5100  }
0x7: {  	s22 =	simm.s32 $0x0;
	s10 =	sand.u32 $0x1, s0;
	s0 =	rddreg [dreg:$0x3]  }
0x8: {  	s7 =	smul.u32 $0x14000, s1;
	[smem:$0x7FF] =	sst s4;
	s5 =	sadd.s32 $0x29000, s9  }
0x9: {  	s6 =	smul.u32 $0x140000, s10;
	s30 =	ssub.s32 $0x2, s10;
	s10 =	sshll.u32 s10, $0x4  }
0xa: {  	_ =	strace $0x80000047;
	s12 =	sshrl.u32 s30, $0x1;
	s31 =	sor.u32 s1, s10  }
0xb: {  	s10 =	smul.u32 $0x280, s1;
	s8 =	sadd.s32 s7, s6;
	s6 =	sadd.s32 $0x32E00, s9  }
0xc: {  	s7 =	sadd.s32 $0x1C00, s9;
	s12 =	ssub.s32 s30, s12;
	s11 =	sshrl.u32 s8, $0x3  }
0xd: {  	s8 =	sadd.s32 $0x28E00, s9;
	s12 =	smax.u32 s12, $0x1;
	s13 =	sadd.s32 s11, s9  }
0xe: {  	v0 =	vimm.f32 $0.0e+00;
	v1 =	vlaneseq.u32;
	s9 =	sadd.s32 $0x8CC00, s9;
	s11 =	smul.u32 $0x2710, s31;
	s13 =	sadd.s32 $0x3CC00, s13  }
.LBB2_1:
0xf: {  	s23 =	simm.s32 $0x0;
	s24 =	simm.s32 $0x200  }
.LBB2_2:
0x10: {  	p0 =	sne.s32 s24, $0x9E00;
	[tilespmem:s23+$0x2970] =	vst v0  }
0x11: {  	[tilespmem:s23+$0x2900] =	vst v0  }
0x12: {  	[tilespmem:s23+$0x2910] =	vst v0  }
.Ltmp0:
0x13: {  	[tilespmem:s23+$0x2920] =	vst v0;
	(pc) =	sbr.rel @p0 .LBB2_2-.Ltmp0, $4  }
0x14: {  	[tilespmem:s23+$0x2930] =	vst v0  }
0x15: {  	[tilespmem:s23+$0x2940] =	vst v0  }
0x16: {  	[tilespmem:s23+$0x2950] =	vst v0  }
0x17: {  	[tilespmem:s23+$0x2960] =	vst v0;
	s23 =	sshra.s32 s24, $0x2;
	s24 =	sadd.s32 $0x200, s24  }
0x18: {  	[tilespmem:s23+$0x2970] =	vst v0  }
0x19: {  	[tilespmem:s23+$0x2900] =	vst v0  }
0x1a: {  	[tilespmem:s23+$0x2910] =	vst v0  }
0x1b: {  	[tilespmem:s23+$0x2920] =	vst v0  }
0x1c: {  	[tilespmem:s23+$0x2930] =	vst v0  }
0x1d: {  	[tilespmem:s23+$0x2940] =	vst v0  }
0x1e: {  	[tilespmem:s23+$0x2950] =	vst v0  }
0x1f: {  	[tilespmem:s23+$0x2960] =	vst v0;
	s30 =	simm.s32 $0x0  }
0x20: {  	[tilespmem:s14], [sflag:$0x2] =	stream.linear.gather [hbm4b:s8+s30], $0x80, $0x38;
	[tilespmem:$0x1B980] =	vst v63  }
0x21: {  	_ =	swait.ge [sflag:s15], $0x80  }
0x22: {  	s31 =	sadd.s32 $0x0, s10;
	[sflag:s15] =	ssyncset.done $0x0  }
0x23: {  	v2 =	vor.u32 s31, v1;
	s25 =	sadd.s32 $0x30, s31;
	[sflag:s15] =	ssyncadd.s32 $0xFFFFFF80  }
0x24: {  	s24 =	sadd.s32 $0x40, s31;
	v3 =	vor.u32 s25, v1;
	[tilespmem:$0x0] =	vst v2  }
0x25: {  	s26 =	sadd.s32 $0x20, s31;
	v2 =	vor.u32 s24, v1;
	[tilespmem:$0x30] =	vst v3  }
0x26: {  	s23 =	simm.s32 $0x50;
	s24 =	sadd.s32 $0x10, s31;
	[tilespmem:$0x40] =	vst v2;
	v2 =	vor.u32 s26, v1  }
.LBB2_4:
0x27: {  	p0 =	sne.s32 s23, $0x230;
	v3 =	vor.u32 s24, v1;
	[tilespmem:$0x20] =	vst v2  }
0x28: {  	[tilespmem:$0x10] =	vst v3;
	[spmem:s3] =	stream.indirect.scatter [tilespmem:s17], [sflag:$0x2], $0x80, s4, s16, $0xb8  }
0x29: {  	_ =	swait.ge [sflag:s15], $0x2800  }
.Ltmp1:
0x2a: {  	s24 =	sadd.s32 s23, s10;
	[sflag:s15] =	ssyncset.done $0x0;
	(pc) =	sbr.rel @p0 .LBB2_4-.Ltmp1, $4  }
0x2b: {  	v2 =	vor.u32 s24, v1;
	s25 =	sadd.s32 $0x40, s24;
	[sflag:s15] =	ssyncadd.s32 $0xFFFFD800  }
0x2c: {  	s26 =	sadd.s32 $0x30, s24;
	[tilespmem:$0x0] =	vst v2;
	v2 =	vor.u32 s25, v1  }
0x2d: {  	v3 =	vor.u32 s26, v1;
	s25 =	sadd.s32 $0x20, s24;
	[tilespmem:$0x40] =	vst v2  }
0x2e: {  	s23 =	sadd.s32 $0x50, s23;
	s24 =	sadd.s32 $0x10, s24;
	v2 =	vor.u32 s25, v1;
	[tilespmem:$0x30] =	vst v3  }
0x2f: {  	v3 =	vor.u32 s24, v1;
	[tilespmem:$0x20] =	vst v2  }
0x30: {  	[tilespmem:$0x10] =	vst v3  }
0x31: {  	[spmem:s3] =	stream.indirect.scatter [tilespmem:s17], [sflag:$0x2], $0x80, s4, s16, $0xb8;
	[tilespmem:$0x1B980] =	vst v63  }
0x32: {  	_ =	swait.ge [sflag:s15], $0x2800  }
0x33: {  	[sflag:s15] =	ssyncset.done $0x0  }
0x34: {  	[sflag:s15] =	ssyncadd.s32 $0xFFFFD800  }
0x35: {  	s23 =	simm.s32 $0x0;
	s24 =	simm.s32 $0x0;
	[bflag:$0x0] =	sbarrier.arrive $0xFFFF  }
.LBB2_6:
0x36: {  	s25 =	smul.u32 $0x50, s24;
	_ =	sdelay $0x1  }
0x37: {  	s25 =	sadd.s32 s11, s25  }
0x38: {  	s26 =	sshrl.u32 s25, $0x3  }
0x39: {  	s28 =	sadd.s32 s5, s26  }
0x3a: {  	[tilespmem:s23], [sflag:$0x2] =	stream.linear.gather [hbm4b:s28+s23], $0x50, $0x38;
	[tilespmem:$0x1B980] =	vst v63  }
0x3b: {  	_ =	swait.ge [sflag:s15], $0x50  }
0x3c: {  	[sflag:s15] =	ssyncset.done $0x0  }
0x3d: {  	s26 =	sadd.s32 s6, s26;
	[sflag:s15] =	ssyncadd.s32 $0xFFFFFFB0  }
0x3e: {  	[tilespmem:s18], [sflag:$0x2] =	stream.linear.gather [hbm4b:s26+s23], $0x50, $0x38;
	[tilespmem:$0x1B980] =	vst v63  }
0x3f: {  	_ =	swait.ge [sflag:s15], $0x50  }
0x40: {  	[sflag:s15] =	ssyncset.done $0x0  }
0x41: {  	[sflag:s15] =	ssyncadd.s32 $0xFFFFFFB0  }
0x42: {  	[tilespmem:s19], [sflag:$0x2] =	stream.indirect.gather [hbm4b:s7+s16], $0x80, s23, s16, $0xb8;
	[tilespmem:$0x1B980] =	vst v63  }
0x43: {  	_ =	swait.ge [sflag:s15], $0x2800  }
0x44: {  	[sflag:s15] =	ssyncset.done $0x0  }
0x45: {  	s26 =	simm.s32 $0x0;
	[sflag:s15] =	ssyncadd.s32 $0xFFFFD800  }
0x46: {  	[tilespmem:s17], [sflag:$0x1] =	stream.indirect.gather [hbm4b:s2+s16], $0x80, s23, s16, $0xb8;
	[tilespmem:$0x1B980] =	vst v63  }
0x47: {  	s28 =	simm.s32 $0x200;
	v2 =	vld [tilespmem:s26+$0x100]  }
.LBB2_7:
0x48: {  	p0 =	sne.s32 s28, $0x9E00  }
.Ltmp2:
0x49: {  	_ = 	snop;
	(pc) =	sbr.rel @p0 .LBB2_7-.Ltmp2, $3  }
0x4a: {  	_ =	sdelay $0x1  }
0x4b: {  	[tilespmem:s26+$0x5100] =	vst v2;
	s26 =	sshra.s32 s28, $0x2;
	s28 =	sadd.s32 $0x200, s28  }
0x4c: {  	v2 =	vld [tilespmem:s26+$0x100]  }
0x4d: {  	_ =	sdelay $0x3  }
0x4e: {  	[tilespmem:s26+$0x5100] =	vst v2  }
0x4f: {  	[tilespmem:s19], [sflag:$0x2] =	stream.indirect.gather [hbm4b:s7+s16], $0x80, s18, s16, $0xb8;
	[tilespmem:$0x1B980] =	vst v63  }
0x50: {  	_ =	swait.ge [sflag:s15], $0x2800  }
0x51: {  	[sflag:s15] =	ssyncset.done $0x0  }
0x52: {  	[sflag:s15] =	ssyncadd.s32 $0xFFFFD800  }
0x53: {  	s26 =	simm.s32 $0x0;
	v2 =	vld [tilespmem:$0x7900]  }
0x54: {  	s28 =	simm.s32 $0x200;
	v3 =	vld [tilespmem:s26+$0x110]  }
.LBB2_9:
0x55: {  	p0 =	sne.s32 s28, $0x9E00;
	v4 =	vld [tilespmem:s26+$0x5100];
	_ =	sdelay $0x4  }
0x56: {  	v3 =	vadd.f32 v3, v4;
	_ =	sdelay $0x1  }
0x57: {  	v4 =	vmul.f32 $2.000000030e-01, v3;
	_ =	sdelay $0x1  }
0x58: {  	v3 =	vmax.f32 v3, v4  }
0x59: {  	v3 =	vsub.f32 v3, v2;
	_ =	sdelay $0x1  }
0x5a: {  	v3 =	vmul.f32 $1.442695020e+00, v3;
	_ =	sdelay $0x1  }
0x5b: {  	(erf) = vpow2.f32 v3;
	_ =	sdelay $0x5  }
.Ltmp3:
0x5c: {  	(pc) =	sbr.rel @p0 .LBB2_9-.Ltmp3, $3  }
0x5d: {  	_ =	sdelay $0x1  }
0x5e: {  	s29 =	sshra.s32 s28, $0x2;
	v4 =	vpop (erf)  }
0x5f: {  	s28 =	sadd.s32 $0x200, s28;
	v3 =	vld [tilespmem:s29+$0x110];
	[tilespmem:s26+$0x5100] =	vst v4;
	s26 =	smov.u32 s29  }
0x60: {  	v4 =	vld [tilespmem:s26+$0x5100];
	_ =	sdelay $0x4  }
0x61: {  	v3 =	vadd.f32 v3, v4;
	_ =	sdelay $0x1  }
0x62: {  	v4 =	vmul.f32 $2.000000030e-01, v3;
	_ =	sdelay $0x1  }
0x63: {  	v3 =	vmax.f32 v3, v4  }
0x64: {  	v2 =	vsub.f32 v3, v2;
	_ =	sdelay $0x1  }
0x65: {  	v2 =	vmul.f32 $1.442695020e+00, v2;
	_ =	sdelay $0x1  }
0x66: {  	(erf) = vpow2.f32 v2;
	_ =	sdelay $0x8  }
0x67: {  	v2 =	vpop (erf)  }
0x68: {  	[tilespmem:s26+$0x5100] =	vst v2  }
0x69: {  	_ =	swait.ge [sflag:s20], $0x2800  }
0x6a: {  	[sflag:s20] =	ssyncset.done $0x0  }
0x6b: {  	s26 =	simm.s32 $0x0;
	[sflag:s20] =	ssyncadd.s32 $0xFFFFD800  }
0x6c: {  	v2 =	vld [tilespmem:s26+$0x5100]  }
0x6d: {  	v8 =	vld [tilespmem:s26+$0x2900]  }
0x6e: {  	v5 =	vld [tilespmem:s26+$0x2920]  }
0x6f: {  	v3 =	vld [tilespmem:s26+$0x2910]  }
0x70: {  	v4 =	vld [tilespmem:s26+$0x2930]  }
0x71: {  	v6 =	vld [tilespmem:s26+$0x2940];
	v11 =	vbroadcast v2, $0x0;
	v9 =	vbroadcast v2, $0x1  }
0x72: {  	v7 =	vld [tilespmem:s26+$0x2950];
	v12 =	vbroadcast v2, $0x2;
	v10 =	vbroadcast v2, $0x4  }
0x73: {  	s28 =	simm.s32 $0x200;
	v13 =	vmul.f32 v11, v8;
	v11 =	vbroadcast v2, $0x3;
	v8 =	vld [tilespmem:s26+$0x2960]  }
.LBB2_11:
0x74: {  	s29 =	sshra.s32 s28, $0x2;
	p0 =	sne.s32 s28, $0x9E00;
	s28 =	sadd.s32 $0x200, s28;
	v5 =	vmul.f32 v5, v12;
	v12 =	vbroadcast v2, $0x5;
	v14 =	vld [tilespmem:s26+$0x2970]  }
0x75: {  	v3 =	vmul.f32 v3, v9;
	v15 =	vld [tilespmem:s29+$0x5100];
	[tilespmem:s26+$0x2900] =	vst v13;
	v4 =	vmul.f32 v4, v11  }
0x76: {  	v9 =	vbroadcast v2, $0x6;
	v11 =	vld [tilespmem:s29+$0x2900];
	[tilespmem:s26+$0x2920] =	vst v5;
	v6 =	vmul.f32 v6, v10  }
0x77: {  	v10 =	vbroadcast v2, $0x7;
	v5 =	vld [tilespmem:s29+$0x2920];
	[tilespmem:s26+$0x2910] =	vst v3;
	v7 =	vmul.f32 v7, v12  }
.Ltmp4:
0x78: {  	v3 =	vld [tilespmem:s29+$0x2910];
	[tilespmem:s26+$0x2930] =	vst v4;
	v8 =	vmul.f32 v8, v9;
	(pc) =	sbr.rel @p0 .LBB2_11-.Ltmp4, $4  }
0x79: {  	v4 =	vld [tilespmem:s29+$0x2930];
	[tilespmem:s26+$0x2940] =	vst v6;
	v14 =	vmul.f32 v14, v10  }
0x7a: {  	v13 =	vbroadcast v15, $0x0;
	v9 =	vbroadcast v15, $0x1;
	v6 =	vld [tilespmem:s29+$0x2940];
	[tilespmem:s26+$0x2950] =	vst v7;
	v2 =	vmov v15  }
0x7b: {  	v12 =	vbroadcast v2, $0x2;
	v10 =	vbroadcast v2, $0x4;
	v7 =	vld [tilespmem:s29+$0x2950];
	[tilespmem:s26+$0x2960] =	vst v8  }
0x7c: {  	v13 =	vmul.f32 v13, v11;
	v11 =	vbroadcast v2, $0x3;
	v8 =	vld [tilespmem:s29+$0x2960];
	[tilespmem:s26+$0x2970] =	vst v14;
	s26 =	smov.u32 s29  }
0x7d: {  	v5 =	vmul.f32 v5, v12  }
0x7e: {  	v59 =	vld [tilespmem:s26+$0x2970];
	v3 =	vmul.f32 v3, v9;
	[tilespmem:s26+$0x2900] =	vst v13  }
0x7f: {  	v60 =	vbroadcast v2, $0x5;
	v4 =	vmul.f32 v4, v11;
	[tilespmem:s26+$0x2920] =	vst v5  }
0x80: {  	v62 =	vbroadcast v2, $0x6;
	v61 =	vmul.f32 v6, v10;
	[tilespmem:s26+$0x2910] =	vst v3  }
0x81: {  	v2 =	vbroadcast v2, $0x7;
	v3 =	vmul.f32 v7, v60;
	[tilespmem:s26+$0x2930] =	vst v4  }
0x82: {  	v63 =	vmul.f32 v8, v62;
	[tilespmem:s26+$0x2940] =	vst v61  }
0x83: {  	v2 =	vmul.f32 v59, v2;
	[tilespmem:s26+$0x2950] =	vst v3  }
0x84: {  	s25 =	sshll.u32 s25, $0x4;
	[tilespmem:s26+$0x2960] =	vst v63  }
0x85: {  	s25 =	sadd.s32 s9, s25;
	[tilespmem:s26+$0x2970] =	vst v2  }
0x86: {  	[hbm4b:s25+s4] =	stream.linear.scatter [tilespmem:s21], [sflag:$0x2], $0x2800, $0x38;
	[tilespmem:$0x1B980] =	vst v63  }
0x87: {  	s24 =	sadd.s32 $0x1, s24;
	_ =	swait.ge [sflag:s15], $0x2800  }
0x88: {  	p0 =	sne.s32 s24, $0x7D;
	[sflag:s15] =	ssyncset.done $0x0  }
.Ltmp5:
0x89: {  	[sflag:s15] =	ssyncadd.s32 $0xFFFFD800;
	(pc) =	sbr.rel @p0 .LBB2_6-.Ltmp5, $4  }
0x8a: {  	[spmem:s3] =	stream.indirect.scatter.add.f32 [tilespmem:s17], [sflag:$0x2], $0x80, s18, s16, $0xb8;
	[tilespmem:$0x1B980] =	vst v63  }
0x8b: {  	_ =	swait.ge [sflag:s15], $0x2800  }
0x8c: {  	[sflag:s15] =	ssyncset.done $0x0  }
0x8d: {  	[sflag:s15] =	ssyncadd.s32 $0xFFFFD800  }
0x8e: {  	s23 =	sadd.s32 $0x0, s10  }
0x8f: {  	[bflag:$0x0] =	sbarrier.arrive $0xFFFF;
	v2 =	vor.u32 s23, v1;
	s24 =	sadd.s32 $0x10, s23  }
0x90: {  	s25 =	sadd.s32 $0x40, s23;
	[tilespmem:$0x0] =	vst v2;
	v2 =	vor.u32 s24, v1  }
0x91: {  	s31 =	sadd.s32 $0x30, s23;
	v3 =	vor.u32 s25, v1;
	[tilespmem:$0x10] =	vst v2  }
0x92: {  	s23 =	sadd.s32 $0x20, s23;
	v2 =	vor.u32 s31, v1;
	[tilespmem:$0x40] =	vst v3  }
0x93: {  	[tilespmem:$0x30] =	vst v2;
	v2 =	vor.u32 s23, v1  }
0x94: {  	[tilespmem:$0x20] =	vst v2  }
0x95: {  	[tilespmem:s17], [sflag:$0x2] =	stream.indirect.gather [spmem:s3], $0x80, s4, s16, $0xb8;
	[tilespmem:$0x1B980] =	vst v63  }
0x96: {  	_ =	swait.ge [sflag:s15], $0x2800  }
0x97: {  	s24 =	sadd.s32 $0x500, s13;
	[sflag:s15] =	ssyncset.done $0x0  }
0x98: {  	s25 =	smov.u32 s13;
	s23 =	simm.s32 $0x50;
	[sflag:s15] =	ssyncadd.s32 $0xFFFFD800  }
.LBB2_14:
0x99: {  	[hbm4b:s25+s4] =	stream.linear.scatter [tilespmem:s17], [sflag:$0x2], $0x2800, $0x38;
	[tilespmem:$0x1B980] =	vst v63  }
0x9a: {  	s26 =	smov.u32 s23;
	s25 =	smov.u32 s24  }
0x9b: {  	p0 =	sne.s32 s23, $0x230;
	s23 =	sadd.s32 $0x50, s23;
	_ =	swait.ge [sflag:s15], $0x2800  }
0x9c: {  	s26 =	sadd.s32 s26, s10;
	[sflag:s15] =	ssyncset.done $0x0  }
0x9d: {  	v2 =	vor.u32 s26, v1;
	s28 =	sadd.s32 $0x10, s26;
	s29 =	sadd.s32 $0x20, s26;
	[sflag:s15] =	ssyncadd.s32 $0xFFFFD800  }
0x9e: {  	v3 =	vor.u32 s29, v1;
	[tilespmem:$0x0] =	vst v2;
	v2 =	vor.u32 s28, v1;
	s28 =	sadd.s32 $0x30, s26;
	s26 =	sadd.s32 $0x40, s26  }
0x9f: {  	[tilespmem:$0x10] =	vst v2;
	v2 =	vor.u32 s28, v1;
	v4 =	vor.u32 s26, v1  }
0xa0: {  	[tilespmem:$0x30] =	vst v2  }
0xa1: {  	[tilespmem:$0x40] =	vst v4  }
.Ltmp6:
0xa2: {  	[tilespmem:$0x20] =	vst v3;
	(pc) =	sbr.rel @p0 .LBB2_14-.Ltmp6, $4  }
0xa3: {  	[tilespmem:s17], [sflag:$0x2] =	stream.indirect.gather [spmem:s3], $0x80, s4, s16, $0xb8;
	[tilespmem:$0x1B980] =	vst v63  }
0xa4: {  	_ =	swait.ge [sflag:s15], $0x2800  }
0xa5: {  	[sflag:s15] =	ssyncset.done $0x0  }
0xa6: {  	s24 =	sadd.s32 $0x500, s24;
	[sflag:s15] =	ssyncadd.s32 $0xFFFFD800  }
0xa7: {  	s22 =	sadd.s32 $0x1, s22  }
0xa8: {  	p0 =	sne.s32 s22, s12  }
.Ltmp7:
0xa9: {  	_ = 	snop;
	(pc) =	sbr.rel @p0 .LBB2_1-.Ltmp7, $4  }
0xaa: {  	[hbm4b:s25+s4] =	stream.linear.scatter [tilespmem:s17], [sflag:$0x2], $0x2800, $0x38;
	[tilespmem:$0x1B980] =	vst v63  }
0xab: {  	_ =	swait.ge [sflag:s15], $0x2800  }
0xac: {  	[sflag:s15] =	ssyncset.done $0x0  }
0xad: {  	[sflag:s15] =	ssyncadd.s32 $0xFFFFD800  }
0xae: {  	_ =	sfence.sel $0x180000  }
0xaf: {  	[bflag:$0x0] =	sbarrier.arrive $0xFFFF  }
0xb0: {  	p0 =	sne.s32 s1, $0x0;
	_ =	strace $0x90000047  }
0xb1: {  	s0 =	sadd.s32 @!p0 $0x100000, s0;
	[bflag:$0x2] =	sbarrier.arrive $0xFFFF  }
0xb2: {  	[sflag:s0] =	ssyncadd.tile.s32 @!p0 $0x1;
	_ =	shalt  }
.Lfunc_end2:
_tile_overlayer_lowered:
.L_overlay_start_2:
0xb3: {  	(tag) =	ssettag $0x2  }
0xb4: {  	s0 =	rddreg [dreg:$0x0];
	s2 =	stileid.u32  }
0xb5: {  	s1 =	rddreg [dreg:$0x1];
	p0 =	sne.s32 s2, $0x0  }
0xb6: {  	s3 =	rddreg [dreg:$0x2];
	[bflag:$0x3] =	sbarrier.arrive $0xFFFF;
	s2 =	simm.s32 @!p0 $0x1C02  }
0xb7: {  	[timem:s3], [sflag:s2] =	dma.local @!p0 [hbm:s0], s1  }
0xb8: {  	s0 =	simm.s32 @!p0 $0x2  }
0xb9: {  	_ =	swait.ge @!p0 [sflag:s0], s1  }
0xba: {  	s1 =	ssub.s32 @!p0 $0x0, s1;
	[sflag:s0] =	ssyncset.done @!p0 $0x0  }
0xbb: {  	[sflag:s0] =	ssyncadd.s32 @!p0 s1  }
0xbc: {  	[bflag:$0x3] =	sbarrier.arrive $0xFFFF  }
0xbd: {  	_ =	shalt  }

// kernel: kernel.9.cloned.1.call-start
scs
__scs_entry_jumppad:
0x0: {  	(pc) =	sbr.rel $0x88, $3  }
0x1: {  	(tag) =	ssettag $0x0;
	lr =	simm.s32 $0x1  }
0x2: {  	[smem:$0x3F9B] =	sst lr;
	_ =	strace $0xD0000000  }
0x3: {  	_ = 	snop  }
0x4: {  	_ = 	snop  }
0x5: {  	_ = 	snop  }
0x6: {  	_ = 	snop  }
0x7: {  	_ = 	snop  }
__scs_overlays_trampoline_lowered:
0x8: {  	[smem:$0x3FAA] =	sst s0  }
0x9: {  	[smem:$0x3FAB] =	sst s1  }
0xa: {  	[smem:$0x3FAC] =	sst s2  }
0xb: {  	[smem:$0x3FAD] =	sst s3  }
0xc: {  	[smem:$0x3FAE] =	sst s4  }
0xd: {  	[smem:$0x3FAF] =	sst s5  }
0xe: {  	[smem:$0x3FB0] =	sst s6  }
0xf: {  	[smem:$0x3FB1] =	sst s7  }
0x10: {  	[smem:$0x3FB2] =	sst s8  }
0x11: {  	[smem:$0x3FB3] =	sst s9;
	s0 =	simm.s32 @!p0 $0x0  }
0x12: {  	s1 =	sld [smem:$0x3F99];
	s0 =	simm.s32 @p0 $0x1  }
0x13: {  	[smem:$0x3FB4] =	sst s0;
	s0 =	simm.s32 @!p1 $0x0  }
0x14: {  	s2 =	sld [smem:$0x3F98];
	s0 =	simm.s32 @p1 $0x1  }
0x15: {  	[smem:$0x3FB5] =	sst s0;
	s0 =	simm.s32 @!p2 $0x0  }
0x16: {  	s3 =	sld [smem:$0x3FDB];
	s0 =	simm.s32 @p2 $0x1  }
0x17: {  	s4 =	simm.s32 $0x1BF5;
	[smem:$0x3FB7] =	sst s0  }
0x18: {  	s0 =	sld [smem:$0x3F9A];
	_ =	swait.ge [sflag:s4], $0x0  }
0x19: {  	s7 =	sld [smem:$0x3F9B]  }
0x1a: {  	s8 =	sadd.s32 $0xFFFFE003, lr  }
0x1b: {  	s9 =	sadd.s32 $0xFFFFFEF7, lr;
	s5 =	simm.s32 $0xFFFFFFFF;
	p2 =	slt.u32 s8, $0xFFFFF086  }
0x1c: {  	p1 =	slt.u32 s9, $0xF7A;
	s5 =	simm.s32 @!p2 $0x0  }
0x1d: {  	s5 =	simm.s32 @p1 $0x1;
	p0 =	seq.s32 s7, s2  }
0x1e: {  	s7 =	smul.u32 @!p0 $0xF7A, s2;
	p2 =	seq.s32 @!p0 s5, $0x0  }
0x1f: {  	s9 =	smul.u32 $0xF7A, s1;
	s8 =	simm.s32 @!p0 $0x1BF5;
	p2 =	por !p2, p0  }
0x20: {  	[sflag:s8] =	ssyncset.s32 @!p0 $0xFFFFF086;
	s6 =	sadd.s32 @!p0 s3, s7;
	s7 =	simm.s32 @!p0 $0x108  }
0x21: {  	s3 =	sadd.s32 s3, s9;
	s6 =	sadd.s32 @!p0 $0x88, s6;
	s7 =	simm.s32 @p2 $0x1082  }
0x22: {  	[simem:s7], [sflag:s8] =	dma.local @!p0 [hbm:s6], $0xF7A  }
0x23: {  	s9 =	sor.u32 $0xD0000000, s2;
	s6 =	simm.s32 $0x108;
	_ =	swait.ge @!p0 [sflag:s8], $0x0  }
0x24: {  	s3 =	sadd.s32 $0x88, s3;
	s6 =	simm.s32 @!p1 $0x1082;
	[sflag:s4] =	ssyncset.s32 $0xFFFFF086  }
0x25: {  	[simem:s6], [sflag:s4] =	dma.local [hbm:s3], $0xF7A  }
0x26: {  	[smem:$0x3F9B] =	sst s1;
	(tag) =	ssettag s2;
	_ =	strace s9  }
0x27: {  	s1 =	sld [smem:$0x3FAB]  }
0x28: {  	s2 =	sld [smem:$0x3FAC]  }
0x29: {  	s4 =	sld [smem:$0x3FAE]  }
0x2a: {  	p0 =	seq.s32 s5, $0x0;
	s5 =	sld [smem:$0x3FAF]  }
0x2b: {  	s6 =	sld [smem:$0x3FB0]  }
0x2c: {  	s7 =	sld [smem:$0x3FB1]  }
0x2d: {  	s3 =	simm.s32 $0x108;
	s8 =	sld [smem:$0x3FB2]  }
0x2e: {  	s3 =	simm.s32 @!p0 $0x1082;
	s9 =	sld [smem:$0x3FB3]  }
0x2f: {  	lr =	sadd.s32 s0, s3;
	s0 =	sld [smem:$0x3FAA]  }
0x30: {  	s3 =	sld [smem:$0x3FAD]  }
0x31: {  	[smem:$0x3FB6] =	sst s10  }
0x32: {  	s10 =	sld [smem:$0x3FB4];
	_ =	sdelay $0x3  }
0x33: {  	p0 =	seq.s32 s10, $0x1;
	s10 =	sld [smem:$0x3FB6];
	_ =	sdelay $0x3  }
0x34: {  	[smem:$0x3FB6] =	sst s10  }
0x35: {  	s10 =	sld [smem:$0x3FB5];
	_ =	sdelay $0x3  }
0x36: {  	p1 =	seq.s32 s10, $0x1;
	s10 =	sld [smem:$0x3FB6];
	_ =	sdelay $0x3  }
0x37: {  	[smem:$0x3FB6] =	sst s10  }
0x38: {  	s10 =	sld [smem:$0x3FB7]  }
0x39: {  	_ = 	snop;
	(pc) =	sbr.ind lr, $3  }
0x3a: {  	_ = 	snop  }
0x3b: {  	_ = 	snop  }
0x3c: {  	p2 =	seq.s32 s10, $0x1;
	s10 =	sld [smem:$0x3FB6]  }
0x3d: {  	_ =	shalt  }
0x3e: {  	_ =	shalt  }
0x3f: {  	_ =	shalt  }
0x40: {  	_ =	shalt  }
0x41: {  	_ =	shalt  }
0x42: {  	_ =	shalt  }
0x43: {  	_ =	shalt  }
0x44: {  	_ =	shalt  }
0x45: {  	_ =	shalt  }
0x46: {  	_ =	shalt  }
0x47: {  	_ =	shalt  }
0x48: {  	_ =	shalt  }
0x49: {  	_ =	shalt  }
0x4a: {  	_ =	shalt  }
0x4b: {  	_ =	shalt  }
0x4c: {  	_ =	shalt  }
0x4d: {  	_ =	shalt  }
0x4e: {  	_ =	shalt  }
0x4f: {  	_ =	shalt  }
0x50: {  	_ =	shalt  }
0x51: {  	_ =	shalt  }
0x52: {  	_ =	shalt  }
0x53: {  	_ =	shalt  }
0x54: {  	_ =	shalt  }
0x55: {  	_ =	shalt  }
0x56: {  	_ =	shalt  }
0x57: {  	_ =	shalt  }
0x58: {  	_ =	shalt  }
0x59: {  	_ =	shalt  }
0x5a: {  	_ =	shalt  }
0x5b: {  	_ =	shalt  }
0x5c: {  	_ =	shalt  }
0x5d: {  	_ =	shalt  }
0x5e: {  	_ =	shalt  }
0x5f: {  	_ =	shalt  }
0x60: {  	_ =	shalt  }
0x61: {  	_ =	shalt  }
0x62: {  	_ =	shalt  }
0x63: {  	_ =	shalt  }
0x64: {  	_ =	shalt  }
0x65: {  	_ =	shalt  }
0x66: {  	_ =	shalt  }
0x67: {  	_ =	shalt  }
0x68: {  	_ =	shalt  }
0x69: {  	_ =	shalt  }
0x6a: {  	_ =	shalt  }
0x6b: {  	_ =	shalt  }
0x6c: {  	_ =	shalt  }
0x6d: {  	_ =	shalt  }
0x6e: {  	_ =	shalt  }
0x6f: {  	_ =	shalt  }
0x70: {  	_ =	shalt  }
0x71: {  	_ =	shalt  }
0x72: {  	_ =	shalt  }
0x73: {  	_ =	shalt  }
0x74: {  	_ =	shalt  }
0x75: {  	_ =	shalt  }
0x76: {  	_ =	shalt  }
0x77: {  	_ =	shalt  }
0x78: {  	_ =	shalt  }
0x79: {  	_ =	shalt  }
0x7a: {  	_ =	shalt  }
0x7b: {  	_ =	shalt  }
0x7c: {  	_ =	shalt  }
0x7d: {  	_ =	shalt  }
0x7e: {  	_ =	shalt  }
0x7f: {  	_ =	shalt  }
0x80: {  	_ =	shalt  }
0x81: {  	_ =	shalt  }
0x82: {  	_ =	shalt  }
0x83: {  	_ =	shalt  }
0x84: {  	_ =	shalt  }
0x85: {  	_ =	shalt  }
0x86: {  	_ =	shalt  }
0x87: {  	_ =	shalt  }
.Lfunc_end0:
.L_simem_size_0:
called_computation.1_lowered:
.L_overlay_start_0:
0x88: {  	s2 =	sld [smem:$0x3FD9]  }
0x89: {  	s3 =	sld [smem:$0x3FFE];
	_ =	sdelay $0x1  }
0x8a: {  	s1 =	srdreg.scid  }
0x8b: {  	s0 =	sand.u32 $0x1, s1  }
0x8c: {  	s16 =	sshll.u32 s0, $0xA;
	s2 =	sadd.s32 s3, s2  }
0x8d: {  	s2 =	sadd.s32 s2, s16  }
0x8e: {  	[smem:$0x3FC2] =	sst s2  }
0x8f: {  	_ = 	snop  }
0x90: {  	(tm) =	ssettm $0x1  }
0x91: {  	s17 =	sld [smem:$0x3FFB];
	_ =	sdelay $0x3  }
0x92: {  	_ =	strace s17  }
0x93: {  	s2 =	sld [smem:$0x3FFC];
	_ =	sdelay $0x3  }
0x94: {  	_ =	strace s2  }
0x95: {  	s2 =	sld [smem:$0x3FFD];
	_ =	sdelay $0x3  }
0x96: {  	_ =	strace s2  }
0x97: {  	_ =	strace $0x8FFFFFFF  }
0x98: {  	s18 =	sld [smem:$0x3FDB];
	_ =	sdelay $0x1  }
0x99: {  	s19 =	simm.s32 $_scs_section_size  }
0x9a: {  	s4 =	simm.s32 $_size__tile_overlayer_lowered;
	s5 =	simm.s32 $_tile_overlayer_lowered  }
0x9b: {  	s22 =	simm.s32 $0x1BFF;
	s21 =	sshll.u32 s5, $0x1;
	s2 =	sadd.s32 s19, s18  }
0x9c: {  	s6 =	simm.s32 $0x0;
	s20 =	sshll.u32 s4, $0x1;
	s4 =	sadd.s32 s21, s2  }
0x9d: {  	[timem:s6], [sflag:s22] =	dma.local [hbm:s4], s20  }
0x9e: {  	_ =	swait.ge [sflag:s22], s20  }
0x9f: {  	s3 =	ssub.s32 $0x0, s20;
	[sflag:s22] =	ssyncset.done $0x0  }
0xa0: {  	[sflag:s22] =	ssyncadd.s32 s3;
	_ =	sdelay $0x1  }
0xa1: {  	s23 =	simm.s32 $0x1B8B  }
0xa2: {  	_ =	swait.ge [sflag:s23], $0x1  }
0xa3: {  	[sflag:s23] =	ssyncset.done $0x0  }
0xa4: {  	s25 =	simm.s32 $0x1B8E;
	s24 =	sld [smem:$0x3FFE];
	[sflag:s23] =	ssyncadd.s32 $0xFFFFFFFF  }
0xa5: {  	s26 =	simm.s32 $execute0_lowered;
	[smem:$0x3FD2] =	sst s25  }
0xa6: {  	s4 =	sshll.u32 s26, $0x1;
	_ =	strace $0x80000049;
	[dreg:$0x1] =	wrdreg $0xFFFFFFFF  }
0xa7: {  	s28 =	simm.s32 $_size_execute0_lowered;
	s2 =	sadd.s32 s2, s4;
	[dreg:$0x0] =	wrdreg $0x0  }
0xa8: {  	s4 =	sshll.u32 s28, $0x1;
	[dreg:$0x2] =	wrdreg s2  }
0xa9: {  	[dreg:$0x3] =	wrdreg s4  }
0xaa: {  	[dreg:$0x4] =	wrdreg $0xC0  }
0xab: {  	_ =	task [dreg:s6], $0x5FFFF  }
0xac: {  	[dreg:$0x1] =	wrdreg $0xFFFFFFFF  }
0xad: {  	[dreg:$0x0] =	wrdreg $0x60  }
0xae: {  	[dreg:$0x2] =	wrdreg s24  }
0xaf: {  	[dreg:$0x3] =	wrdreg $0x50800  }
0xb0: {  	[dreg:$0x4] =	wrdreg $0x9  }
0xb1: {  	_ =	task.clear_ibuf [dreg:s6], $0x5FFFF;
	_ =	strace $0x90000049  }
0xb2: {  	s29 =	simm.s32 $0x9;
	_ =	strace $0x8000004B  }
0xb3: {  	_ =	swait.ge [sflag:s29], $0x1  }
0xb4: {  	[sflag:s29] =	ssyncadd.s32 $0xFFFFFFFF  }
0xb5: {  	_ =	strace $0x9000004B  }
0xb6: {  	_ =	sfence  }
0xb7: {  	s30 =	sld [smem:$0x0];
	_ =	sdelay $0x2  }
0xb8: {  	s31 =	sshll.u32 s1, $0xD;
	s1 =	sshrl.u32 s1, $0x2  }
0xb9: {  	s3 =	sand.u32 $0x4000, s31;
	s1 =	sadd.s32 s1, s30  }
0xba: {  	s0 =	sor.u32 s3, s0;
	s1 =	sshll.u32 s1, $0x11  }
0xbb: {  	s0 =	sor.u32 s1, s0  }
0xbc: {  	s0 =	sadd.s32 $0x8F2B, s0  }
0xbd: {  	[sflag:s0] =	ssyncadd.remote.s32 $0x1  }
0xbe: {  	_ =	sfence.sel $0xFFFF  }
0xbf: {  	[dreg:$0x0] =	wrdreg $0xFFFFFFFF;
	(pc) =	sbr.abs _section_cstart, $3  }
0xc0: {  	[dreg:$0x1] =	wrdreg $0xFFFFFFFF  }
0xc1: {  	_ =	task.clear_ibuf [dreg:s6], $0x2FFFF;
	_ =	strace $0x9FFFFFFF  }
0xc2: {  	(tm) =	ssettm $0x7FFFFFFF  }
0xc3: {  	_ =	shalt  }
tec
execute0_lowered:
.L_overlay_start_1:
0x0: {  	(tag) =	ssettag $0x1  }
0x1: {  	s7 =	rddreg [dreg:$0x0]  }
0x2: {  	s1 =	rddreg [dreg:$0x1];
	s2 =	srdreg.scid  }
0x3: {  	s0 =	rddreg [dreg:$0x2];
	s3 =	simm.s32 $0x0;
	s12 =	simm.s32 $0x1  }
0x4: {  	s13 =	simm.s32 $0x80;
	s6 =	sand.u32 $0x1, s2;
	s2 =	stileid.u32  }
0x5: {  	s14 =	simm.s32 $0x0;
	[smem:$0x7FF] =	sst s3;
	s8 =	smul.u32 $0x140000, s6  }
0x6: {  	s4 =	sadd.s32 $0x32E00, s7;
	s5 =	sadd.s32 $0x8CC00, s7;
	s9 =	smul.u32 $0x14000, s2  }
0x7: {  	_ =	strace $0x8000004A;
	s30 =	ssub.s32 $0x2, s6;
	s6 =	sshll.u32 s6, $0x4  }
0x8: {  	s10 =	sshrl.u32 s30, $0x1;
	s31 =	sor.u32 s2, s6;
	s8 =	sadd.s32 s9, s8  }
0x9: {  	s6 =	smul.u32 $0x280, s2;
	s9 =	ssub.s32 s30, s10;
	s8 =	sshrl.u32 s8, $0x3  }
0xa: {  	s10 =	simm.s32 $0x50;
	s11 =	sadd.s32 s8, s7;
	s7 =	smul.u32 $0x2710, s31  }
0xb: {  	v0 =	vimm.f32 $0.0e+00;
	v1 =	vlaneseq.u32;
	s8 =	smax.u32 s9, $0x1;
	s9 =	sadd.s32 $0x56EC00, s11;
	s11 =	simm.s32 $0x2880  }
.LBB2_1:
0xc: {  	s15 =	simm.s32 $0x0;
	s16 =	simm.s32 $0x200  }
.LBB2_2:
0xd: {  	p0 =	sne.s32 s16, $0x9E00;
	[tilespmem:s15+$0x28F0] =	vst v0  }
0xe: {  	[tilespmem:s15+$0x2880] =	vst v0  }
0xf: {  	[tilespmem:s15+$0x2890] =	vst v0  }
.Ltmp0:
0x10: {  	[tilespmem:s15+$0x28A0] =	vst v0;
	(pc) =	sbr.rel @p0 .LBB2_2-.Ltmp0, $4  }
0x11: {  	[tilespmem:s15+$0x28B0] =	vst v0  }
0x12: {  	[tilespmem:s15+$0x28C0] =	vst v0  }
0x13: {  	[tilespmem:s15+$0x28D0] =	vst v0  }
0x14: {  	[tilespmem:s15+$0x28E0] =	vst v0;
	s15 =	sshra.s32 s16, $0x2;
	s16 =	sadd.s32 $0x200, s16  }
0x15: {  	[tilespmem:s15+$0x28F0] =	vst v0  }
0x16: {  	[tilespmem:s15+$0x2880] =	vst v0  }
0x17: {  	[tilespmem:s15+$0x2890] =	vst v0  }
0x18: {  	[tilespmem:s15+$0x28A0] =	vst v0  }
0x19: {  	[tilespmem:s15+$0x28B0] =	vst v0  }
0x1a: {  	[tilespmem:s15+$0x28C0] =	vst v0  }
0x1b: {  	[tilespmem:s15+$0x28D0] =	vst v0;
	s16 =	sadd.s32 $0x0, s6  }
0x1c: {  	[tilespmem:s15+$0x28E0] =	vst v0;
	v2 =	vor.u32 s16, v1;
	s30 =	sadd.s32 $0x40, s16  }
0x1d: {  	s17 =	sadd.s32 $0x30, s16;
	[tilespmem:$0x0] =	vst v2;
	v2 =	vor.u32 s30, v1  }
0x1e: {  	s31 =	sadd.s32 $0x20, s16;
	v3 =	vor.u32 s17, v1;
	[tilespmem:$0x40] =	vst v2  }
0x1f: {  	s15 =	simm.s32 $0x50;
	s16 =	sadd.s32 $0x10, s16;
	v2 =	vor.u32 s31, v1;
	[tilespmem:$0x30] =	vst v3  }
.LBB2_4:
0x20: {  	p0 =	sne.s32 s15, $0x230;
	v3 =	vor.u32 s16, v1;
	[tilespmem:$0x20] =	vst v2  }
0x21: {  	[tilespmem:$0x10] =	vst v3;
	[spmem:s1] =	stream.indirect.scatter [tilespmem:s11], [sflag:$0x1], $0x80, s3, s10, $0xb8  }
0x22: {  	_ =	swait.ge [sflag:s12], $0x2800  }
.Ltmp1:
0x23: {  	s16 =	sadd.s32 s15, s6;
	[sflag:s12] =	ssyncset.done $0x0;
	(pc) =	sbr.rel @p0 .LBB2_4-.Ltmp1, $4  }
0x24: {  	v2 =	vor.u32 s16, v1;
	s17 =	sadd.s32 $0x40, s16;
	[sflag:s12] =	ssyncadd.s32 $0xFFFFD800  }
0x25: {  	s18 =	sadd.s32 $0x30, s16;
	[tilespmem:$0x0] =	vst v2;
	v2 =	vor.u32 s17, v1  }
0x26: {  	v3 =	vor.u32 s18, v1;
	s17 =	sadd.s32 $0x20, s16;
	[tilespmem:$0x40] =	vst v2  }
0x27: {  	s15 =	sadd.s32 $0x50, s15;
	s16 =	sadd.s32 $0x10, s16;
	v2 =	vor.u32 s17, v1;
	[tilespmem:$0x30] =	vst v3  }
0x28: {  	v3 =	vor.u32 s16, v1;
	[tilespmem:$0x20] =	vst v2  }
0x29: {  	[tilespmem:$0x10] =	vst v3  }
0x2a: {  	[spmem:s1] =	stream.indirect.scatter [tilespmem:s11], [sflag:$0x1], $0x80, s3, s10, $0xb8;
	[tilespmem:$0x19080] =	vst v63  }
0x2b: {  	_ =	swait.ge [sflag:s12], $0x2800  }
0x2c: {  	[sflag:s12] =	ssyncset.done $0x0  }
0x2d: {  	[sflag:s12] =	ssyncadd.s32 $0xFFFFD800  }
0x2e: {  	s15 =	simm.s32 $0x0;
	s16 =	simm.s32 $0x0;
	[bflag:$0x0] =	sbarrier.arrive $0xFFFF  }
.LBB2_6:
0x2f: {  	s17 =	smul.u32 $0x50, s16;
	_ =	sdelay $0x1  }
0x30: {  	s17 =	sadd.s32 s7, s17  }
0x31: {  	s18 =	sshrl.u32 s17, $0x3  }
0x32: {  	s18 =	sadd.s32 s4, s18  }
0x33: {  	[tilespmem:s15], [sflag:$0x1] =	stream.linear.gather [hbm4b:s18+s15], $0x50, $0x38;
	[tilespmem:$0x19080] =	vst v63  }
0x34: {  	_ =	swait.ge [sflag:s12], $0x50  }
0x35: {  	s17 =	sshll.u32 s17, $0x4;
	[sflag:s12] =	ssyncset.done $0x0  }
0x36: {  	s17 =	sadd.s32 s5, s17;
	[sflag:s12] =	ssyncadd.s32 $0xFFFFFFB0  }
0x37: {  	[tilespmem:s13], [sflag:$0x1] =	stream.linear.gather [hbm4b:s17+s15], $0x2800, $0x38;
	[tilespmem:$0x19080] =	vst v63  }
0x38: {  	_ =	swait.ge [sflag:s12], $0x2800  }
0x39: {  	[sflag:s12] =	ssyncset.done $0x0  }
0x3a: {  	s17 =	simm.s32 $0x0;
	[sflag:s12] =	ssyncadd.s32 $0xFFFFD800  }
0x3b: {  	s18 =	simm.s32 $0x200;
	v2 =	vld [tilespmem:s17+$0x80]  }
.LBB2_7:
0x3c: {  	p0 =	sne.s32 s18, $0x9E00  }
.Ltmp2:
0x3d: {  	_ = 	snop;
	(pc) =	sbr.rel @p0 .LBB2_7-.Ltmp2, $3  }
0x3e: {  	_ =	sdelay $0x1  }
0x3f: {  	[tilespmem:s17+$0x2880] =	vst v2;
	s17 =	sshra.s32 s18, $0x2;
	s18 =	sadd.s32 $0x200, s18  }
0x40: {  	v2 =	vld [tilespmem:s17+$0x80]  }
0x41: {  	_ =	sdelay $0x1  }
0x42: {  	s16 =	sadd.s32 $0x1, s16  }
0x43: {  	p0 =	sne.s32 s16, $0x7D  }
.Ltmp3:
0x44: {  	[tilespmem:s17+$0x2880] =	vst v2;
	(pc) =	sbr.rel @p0 .LBB2_6-.Ltmp3, $4  }
0x45: {  	[spmem:s1] =	stream.indirect.scatter.add.f32 [tilespmem:s11], [sflag:$0x1], $0x80, s3, s10, $0xb8;
	[tilespmem:$0x19080] =	vst v63  }
0x46: {  	_ =	swait.ge [sflag:s12], $0x2800  }
0x47: {  	[sflag:s12] =	ssyncset.done $0x0  }
0x48: {  	[sflag:s12] =	ssyncadd.s32 $0xFFFFD800  }
0x49: {  	s15 =	sadd.s32 $0x0, s6  }
0x4a: {  	[bflag:$0x0] =	sbarrier.arrive $0xFFFF;
	v2 =	vor.u32 s15, v1;
	s16 =	sadd.s32 $0x10, s15  }
0x4b: {  	s17 =	sadd.s32 $0x40, s15;
	[tilespmem:$0x0] =	vst v2;
	v2 =	vor.u32 s16, v1  }
0x4c: {  	s31 =	sadd.s32 $0x30, s15;
	v3 =	vor.u32 s17, v1;
	[tilespmem:$0x10] =	vst v2  }
0x4d: {  	s15 =	sadd.s32 $0x20, s15;
	v2 =	vor.u32 s31, v1;
	[tilespmem:$0x40] =	vst v3  }
0x4e: {  	[tilespmem:$0x30] =	vst v2;
	v2 =	vor.u32 s15, v1  }
0x4f: {  	[tilespmem:$0x20] =	vst v2  }
0x50: {  	[tilespmem:s11], [sflag:$0x1] =	stream.indirect.gather [spmem:s1], $0x80, s3, s10, $0xb8;
	[tilespmem:$0x19080] =	vst v63  }
0x51: {  	_ =	swait.ge [sflag:s12], $0x2800  }
0x52: {  	s16 =	sadd.s32 $0x500, s9;
	[sflag:s12] =	ssyncset.done $0x0  }
0x53: {  	s17 =	smov.u32 s9;
	s15 =	simm.s32 $0x50;
	[sflag:s12] =	ssyncadd.s32 $0xFFFFD800  }
.LBB2_10:
0x54: {  	[hbm4b:s17+s3] =	stream.linear.scatter [tilespmem:s11], [sflag:$0x1], $0x2800, $0x38;
	[tilespmem:$0x19080] =	vst v63  }
0x55: {  	s18 =	smov.u32 s15;
	s17 =	smov.u32 s16  }
0x56: {  	p0 =	sne.s32 s15, $0x230;
	s15 =	sadd.s32 $0x50, s15;
	_ =	swait.ge [sflag:s12], $0x2800  }
0x57: {  	s18 =	sadd.s32 s18, s6;
	[sflag:s12] =	ssyncset.done $0x0  }
0x58: {  	v2 =	vor.u32 s18, v1;
	s19 =	sadd.s32 $0x10, s18;
	s20 =	sadd.s32 $0x20, s18;
	[sflag:s12] =	ssyncadd.s32 $0xFFFFD800  }
0x59: {  	v3 =	vor.u32 s20, v1;
	[tilespmem:$0x0] =	vst v2;
	v2 =	vor.u32 s19, v1;
	s19 =	sadd.s32 $0x30, s18;
	s18 =	sadd.s32 $0x40, s18  }
0x5a: {  	[tilespmem:$0x10] =	vst v2;
	v2 =	vor.u32 s19, v1;
	v4 =	vor.u32 s18, v1  }
0x5b: {  	[tilespmem:$0x30] =	vst v2  }
0x5c: {  	[tilespmem:$0x40] =	vst v4  }
.Ltmp4:
0x5d: {  	[tilespmem:$0x20] =	vst v3;
	(pc) =	sbr.rel @p0 .LBB2_10-.Ltmp4, $4  }
0x5e: {  	[tilespmem:s11], [sflag:$0x1] =	stream.indirect.gather [spmem:s1], $0x80, s3, s10, $0xb8;
	[tilespmem:$0x19080] =	vst v63  }
0x5f: {  	_ =	swait.ge [sflag:s12], $0x2800  }
0x60: {  	[sflag:s12] =	ssyncset.done $0x0  }
0x61: {  	s16 =	sadd.s32 $0x500, s16;
	[sflag:s12] =	ssyncadd.s32 $0xFFFFD800  }
0x62: {  	s14 =	sadd.s32 $0x1, s14  }
0x63: {  	p0 =	sne.s32 s14, s8  }
.Ltmp5:
0x64: {  	_ = 	snop;
	(pc) =	sbr.rel @p0 .LBB2_1-.Ltmp5, $4  }
0x65: {  	[hbm4b:s17+s3] =	stream.linear.scatter [tilespmem:s11], [sflag:$0x1], $0x2800, $0x38;
	[tilespmem:$0x19080] =	vst v63  }
0x66: {  	_ =	swait.ge [sflag:s12], $0x2800  }
0x67: {  	[sflag:s12] =	ssyncset.done $0x0  }
0x68: {  	[sflag:s12] =	ssyncadd.s32 $0xFFFFD800  }
0x69: {  	_ =	sfence.sel $0x180000  }
0x6a: {  	[bflag:$0x0] =	sbarrier.arrive $0xFFFF  }
0x6b: {  	p0 =	sne.s32 s2, $0x0;
	_ =	strace $0x9000004A  }
0x6c: {  	s0 =	sadd.s32 @!p0 $0x100000, s0;
	[bflag:$0x2] =	sbarrier.arrive $0xFFFF  }
0x6d: {  	[sflag:s0] =	ssyncadd.tile.s32 @!p0 $0x1;
	_ =	shalt  }
.Lfunc_end2:
_tile_overlayer_lowered:
.L_overlay_start_2:
0x6e: {  	(tag) =	ssettag $0x2  }
0x6f: {  	s0 =	rddreg [dreg:$0x0];
	s2 =	stileid.u32  }
0x70: {  	s1 =	rddreg [dreg:$0x1];
	p0 =	sne.s32 s2, $0x0  }
0x71: {  	s3 =	rddreg [dreg:$0x2];
	[bflag:$0x3] =	sbarrier.arrive $0xFFFF;
	s2 =	simm.s32 @!p0 $0x1C01  }
0x72: {  	[timem:s3], [sflag:s2] =	dma.local @!p0 [hbm:s0], s1  }
0x73: {  	s0 =	simm.s32 @!p0 $0x1  }
0x74: {  	_ =	swait.ge @!p0 [sflag:s0], s1  }
0x75: {  	s1 =	ssub.s32 @!p0 $0x0, s1;
	[sflag:s0] =	ssyncset.done @!p0 $0x0  }
0x76: {  	[sflag:s0] =	ssyncadd.s32 @!p0 s1  }
0x77: {  	[bflag:$0x3] =	sbarrier.arrive $0xFFFF  }
0x78: {  	_ =	shalt  }

</sc_bundles>
